<compile_context>
chip_gen: v7x
topology: tpu7x:2x2x1
jax: 0.10.2.dev20260603
libtpu: 0.0.44.dev20260713+nightly
codegen_flags: <defaults>
</compile_context>

<pallas_src>
import functools

import jax
import jax.numpy as jnp
from jax import lax
from jax.experimental import pallas as pl
from jax.experimental.pallas import tpu as pltpu
from jax.experimental.pallas import tpu_sc as plsc

C_IN = 100000
D_MODEL = 64
BATCH = 4096
HIST = 50

NC = 2
NS = 16
NW = NC * NS

B = BATCH * HIST
K = 128
B_PER_W = B // NW
STEPS = B_PER_W // K
NBUF = 5
LA = 3
INNER = NBUF

CH = 512


def _gather_body(x_hbm, table_hbm, out_hbm, idx_v, rows, gsems, osems, *, steps):
    wid = lax.axis_index("s") * NC + lax.axis_index("c")
    base = wid * steps * K
    pltpu.sync_copy(x_hbm.at[pl.ds(wid * steps, steps)], idx_v)

    def gather(j, b):
        return pltpu.make_async_copy(
            table_hbm.at[idx_v.at[j]], rows[b], gsems[b]
        )

    def writeback(j, b):
        return pltpu.make_async_copy(
            rows[b], out_hbm.at[pl.ds(base + j * K, K)], osems[b]
        )

    for j in range(LA):
        gather(j, j).start()

    @pl.loop(0, steps // INNER)
    def _outer(p):
        j0 = p * INNER
        for t in range(INNER):
            j = j0 + t
            b = t % NBUF
            nb = (t + LA) % NBUF
            if t >= NBUF - LA:
                writeback(j + LA - NBUF, nb).wait()
            else:
                @pl.when(p > 0)
                def _():
                    writeback(j + LA - NBUF, nb).wait()

            @pl.when(j + LA < steps)
            def _():
                gather(j + LA, nb).start()

            gather(j, b).wait()
            writeback(j, b).start()

    for t in range(NBUF - LA):
        jt = steps - (NBUF - LA) + t
        writeback(jt, jt % NBUF).wait()


CP = 102400
HALF2 = CP // 2
CHW = 3200


def _repack_body(a_ref, o_ref):
    i = pl.program_id(0)
    o_ref[:, :D_MODEL] = a_ref[:, pl.ds(i * CHW, CHW)].T
    o_ref[:, D_MODEL:] = a_ref[:, pl.ds(HALF2 + i * CHW, CHW)].T


def _format_body_alias(dest_ref, src_ref, out_ref):
    del dest_ref
    _format_core(src_ref, out_ref)


def _format_body(src_ref, out_ref):
    _format_core(src_ref, out_ref)


def _format_core(src_ref, out_ref):
    m = src_ref[...].reshape(CH, HIST * D_MODEL)
    out_ref[...] = m.T.reshape(HIST, D_MODEL, CH)


@jax.jit
def kernel(x, W):
    x_t = jnp.where(x < HALF2, 2 * x, 2 * (x - HALF2) + 1)
    x_flat = x_t.reshape(B // K, K)
    w_t = jnp.pad(W, ((0, CP - C_IN), (0, 0))).T
    w_pairs = pl.pallas_call(
        _repack_body,
        grid=(HALF2 // CHW,),
        in_specs=[pl.BlockSpec((D_MODEL, CP), lambda i: (0, 0))],
        out_specs=pl.BlockSpec((CHW, 2 * D_MODEL), lambda i: (i, 0)),
        out_shape=jax.ShapeDtypeStruct((HALF2, 2 * D_MODEL), jnp.float32),
    )(w_t)
    w_lin = w_pairs.reshape(CP, D_MODEL)
    mesh = plsc.VectorSubcoreMesh(core_axis_name="c", subcore_axis_name="s")

    hsteps = STEPS // 2
    hb = B // 2

    def sc_gather(x_half):
        return pl.kernel(
            functools.partial(_gather_body, steps=hsteps),
            out_type=jax.ShapeDtypeStruct((hb, D_MODEL), jnp.float32),
            mesh=mesh,
            scratch_types=[
                pltpu.VMEM((hsteps, K), jnp.int32),
                tuple(pltpu.VMEM((K, D_MODEL), jnp.float32) for _ in range(NBUF)),
                tuple(pltpu.SemaphoreType.DMA for _ in range(NBUF)),
                tuple(pltpu.SemaphoreType.DMA for _ in range(NBUF)),
            ],
            compiler_params=pltpu.CompilerParams(use_tc_tiling_on_sc=False),
        )(x_half, w_lin)

    flat_a = sc_gather(x_flat[: B // (2 * K)])
    flat_b = sc_gather(x_flat[B // (2 * K):])

    rows_per_ch = CH * HIST // 2
    half_grid = BATCH // (2 * CH)
    wide_a = flat_a.reshape(hb // 2, 2 * D_MODEL)
    wide_b = flat_b.reshape(hb // 2, 2 * D_MODEL)
    part = pl.pallas_call(
        _format_body,
        grid=(half_grid,),
        in_specs=[pl.BlockSpec((rows_per_ch, 2 * D_MODEL), lambda i: (i, 0))],
        out_specs=pl.BlockSpec((HIST, D_MODEL, CH), lambda i: (0, 0, i)),
        out_shape=jax.ShapeDtypeStruct((HIST, D_MODEL, BATCH), jnp.float32),
    )(wide_a)
    tbd = pl.pallas_call(
        _format_body_alias,
        grid=(half_grid,),
        in_specs=[
            pl.BlockSpec(memory_space=pl.ANY),
            pl.BlockSpec((rows_per_ch, 2 * D_MODEL), lambda i: (i, 0)),
        ],
        out_specs=pl.BlockSpec(
            (HIST, D_MODEL, CH), lambda i: (0, 0, i + half_grid)
        ),
        out_shape=jax.ShapeDtypeStruct((HIST, D_MODEL, BATCH), jnp.float32),
        input_output_aliases={0: 0},
    )(part, wide_b)
    return jnp.transpose(tbd, (2, 0, 1))

# --- scband reference (transcript-rebuilt; emitter-appended) ---
"""Pipeline reference for scband-cat-fixed-embedding-1580547966497 (READ-ONLY COPY).

The authoritative reference and input builder live on the scoring server;
editing this copy changes nothing except your own understanding.
"""

import math
import jax, jax.numpy as jnp
import numpy as np

C_IN = 100000
D_MODEL = 64
BATCH = 4096
HIST = 50


def _make_table():
    position = jnp.arange(C_IN, dtype=jnp.float32)[:, None]
    div_term = jnp.exp(jnp.arange(0, D_MODEL, 2, dtype=jnp.float32) * -(math.log(10000.0) / D_MODEL))
    w = jnp.zeros((C_IN, D_MODEL), dtype=jnp.float32)
    w = w.at[:, 0::2].set(jnp.sin(position * div_term))
    w = w.at[:, 1::2].set(jnp.cos(position * div_term))
    return w


def setup_inputs(seed: int = 0) -> dict:
    key = jax.random.key(seed)
    x = jax.random.randint(key, (BATCH, HIST), 0, C_IN, dtype=jnp.int32)
    W = _make_table()
    return {"x": x, "W": W}


def reference(x, W):
    # nn.Embedding lookup with a fixed (non-trainable) sinusoidal table,
    # followed by .detach() -> stop_gradient.
    out = jnp.take(W, x, axis=0)
    return jax.lax.stop_gradient(out)

if __name__ == "__main__":
    import jax
    _d = setup_inputs()
    print(jax.jit(kernel)(*tuple(_d.values())))

</pallas_src>

<mosaic_0001>
#map = affine_map<(d0, d1) -> (0, 0)>
module attributes {stable_mosaic.version = 14 : i64} {
  func.func @_gather_body(%arg0: i32, %arg1: i32, %arg2: memref<800x128xi32, #tpu.memory_space<hbm>>, %arg3: memref<102400x64xf32, #tpu.memory_space<hbm>>, %arg4: memref<102400x64xf32, #tpu.memory_space<hbm>>, %arg5: memref<25x128xi32, #tpu.memory_space<vmem>>, %arg6: memref<128x64xf32, #tpu.memory_space<vmem>>, %arg7: memref<128x64xf32, #tpu.memory_space<vmem>>, %arg8: memref<128x64xf32, #tpu.memory_space<vmem>>, %arg9: memref<128x64xf32, #tpu.memory_space<vmem>>, %arg10: memref<128x64xf32, #tpu.memory_space<vmem>>, %arg11: memref<!tpu.dma_semaphore, #tpu.memory_space<semaphore_mem>>, %arg12: memref<!tpu.dma_semaphore, #tpu.memory_space<semaphore_mem>>, %arg13: memref<!tpu.dma_semaphore, #tpu.memory_space<semaphore_mem>>, %arg14: memref<!tpu.dma_semaphore, #tpu.memory_space<semaphore_mem>>, %arg15: memref<!tpu.dma_semaphore, #tpu.memory_space<semaphore_mem>>, %arg16: memref<!tpu.dma_semaphore, #tpu.memory_space<semaphore_mem>>, %arg17: memref<!tpu.dma_semaphore, #tpu.memory_space<semaphore_mem>>, %arg18: memref<!tpu.dma_semaphore, #tpu.memory_space<semaphore_mem>>, %arg19: memref<!tpu.dma_semaphore, #tpu.memory_space<semaphore_mem>>, %arg20: memref<!tpu.dma_semaphore, #tpu.memory_space<semaphore_mem>>) attributes {dimension_semantics = [#tpu.dimension_semantics<core_parallel>, #tpu.dimension_semantics<subcore_parallel>], iteration_bounds = array<i64: 2, 16>, scalar_prefetch = 0 : i64, scratch_operands = 16 : i64, tpu.core_type = #tpu.core_type<sc_vector_subcore>, window_params = [{transform_indices = #map}, {transform_indices = #map}, {transform_indices = #map}]} {
    %mul3A = arith.constant 2 : i32
    %mul3A_0 = arith.muli %arg1, %mul3A : i32
    %add3A = arith.addi %mul3A_0, %arg0 : i32
    %mul3A_1 = arith.constant 25 : i32
    %mul3A_2 = arith.muli %add3A, %mul3A_1 : i32
    %mul3A_3 = arith.constant 128 : i32
    %mul3A_4 = arith.muli %mul3A_2, %mul3A_3 : i32
    %mul3A_5 = arith.constant 25 : i32
    %mul3A_6 = arith.muli %add3A, %mul3A_5 : i32
    "tpu.region"() ({
      %run_scoped3A = tpu.sem_alloc : memref<!tpu.dma_semaphore, #tpu.memory_space<semaphore_mem>>
      %dma_start3A_42 = arith.constant 0 : i32
      %dma_start3A_43 = tpu.memref_slice %arg2[%mul3A_6, %dma_start3A_42] : memref<800x128xi32, #tpu.memory_space<hbm>> -> memref<25x128xi32, #tpu.memory_space<hbm>>
      %dma_start3A_44 = arith.constant 0 : i32
      %dma_start3A_45 = tpu.memref_slice %arg2[%mul3A_6, %dma_start3A_44] : memref<800x128xi32, #tpu.memory_space<hbm>> -> memref<25x128xi32, #tpu.memory_space<hbm>>
      tpu.enqueue_dma source(%dma_start3A_45 : memref<25x128xi32, #tpu.memory_space<hbm>>) target(%arg5 : memref<25x128xi32, #tpu.memory_space<vmem>>) target_semaphore(%run_scoped3A : memref<!tpu.dma_semaphore, #tpu.memory_space<semaphore_mem>>)
      %dma_wait3A_46 = arith.constant 0 : i32
      %dma_wait3A_47 = tpu.memref_slice %arg2[%mul3A_6, %dma_wait3A_46] : memref<800x128xi32, #tpu.memory_space<hbm>> -> memref<25x128xi32, #tpu.memory_space<hbm>>
      %dma_wait3A_48 = arith.constant 0 : i32
      %dma_wait3A_49 = tpu.memref_slice %arg2[%mul3A_6, %dma_wait3A_48] : memref<800x128xi32, #tpu.memory_space<hbm>> -> memref<25x128xi32, #tpu.memory_space<hbm>>
      tpu.wait_dma2 semaphore(%run_scoped3A : memref<!tpu.dma_semaphore, #tpu.memory_space<semaphore_mem>>) src(%dma_wait3A_49 : memref<25x128xi32, #tpu.memory_space<hbm>>) dst(%arg5 : memref<25x128xi32, #tpu.memory_space<vmem>>)
      tpu.yield
    }) : () -> ()
    %dma_start3A = arith.constant 0 : i32
    %dma_start3A_7 = arith.constant 0 : i32
    %dma_start3A_8 = tpu.memref_slice %arg5[%dma_start3A, %dma_start3A_7] : memref<25x128xi32, #tpu.memory_space<vmem>> -> memref<1x128xi32, #tpu.memory_space<vmem>>
    %dma_start3A_9 = tpu.memref_squeeze %dma_start3A_8 : memref<1x128xi32, #tpu.memory_space<vmem>> -> memref<128xi32, #tpu.memory_space<vmem>>
    %dma_start3A_10 = arith.constant 0 : i32
    %dma_start3A_11 = arith.constant 0 : i32
    %dma_start3A_12 = tpu.memref_slice %arg3[%dma_start3A_10, %dma_start3A_11] : memref<102400x64xf32, #tpu.memory_space<hbm>> -> memref<102400x64xf32, #tpu.memory_space<hbm>>
    tpu.enqueue_indirect_dma source(%dma_start3A_12 : memref<102400x64xf32, #tpu.memory_space<hbm>>) target(%arg6 : memref<128x64xf32, #tpu.memory_space<vmem>>) offsets(%dma_start3A_9 : memref<128xi32, #tpu.memory_space<vmem>>) semaphore(%arg11 : memref<!tpu.dma_semaphore, #tpu.memory_space<semaphore_mem>>)
    %dma_start3A_13 = arith.constant 1 : i32
    %dma_start3A_14 = arith.constant 0 : i32
    %dma_start3A_15 = tpu.memref_slice %arg5[%dma_start3A_13, %dma_start3A_14] : memref<25x128xi32, #tpu.memory_space<vmem>> -> memref<1x128xi32, #tpu.memory_space<vmem>>
    %dma_start3A_16 = tpu.memref_squeeze %dma_start3A_15 : memref<1x128xi32, #tpu.memory_space<vmem>> -> memref<128xi32, #tpu.memory_space<vmem>>
    %dma_start3A_17 = arith.constant 0 : i32
    %dma_start3A_18 = arith.constant 0 : i32
    %dma_start3A_19 = tpu.memref_slice %arg3[%dma_start3A_17, %dma_start3A_18] : memref<102400x64xf32, #tpu.memory_space<hbm>> -> memref<102400x64xf32, #tpu.memory_space<hbm>>
    tpu.enqueue_indirect_dma source(%dma_start3A_19 : memref<102400x64xf32, #tpu.memory_space<hbm>>) target(%arg7 : memref<128x64xf32, #tpu.memory_space<vmem>>) offsets(%dma_start3A_16 : memref<128xi32, #tpu.memory_space<vmem>>) semaphore(%arg12 : memref<!tpu.dma_semaphore, #tpu.memory_space<semaphore_mem>>)
    %dma_start3A_20 = arith.constant 2 : i32
    %dma_start3A_21 = arith.constant 0 : i32
    %dma_start3A_22 = tpu.memref_slice %arg5[%dma_start3A_20, %dma_start3A_21] : memref<25x128xi32, #tpu.memory_space<vmem>> -> memref<1x128xi32, #tpu.memory_space<vmem>>
    %dma_start3A_23 = tpu.memref_squeeze %dma_start3A_22 : memref<1x128xi32, #tpu.memory_space<vmem>> -> memref<128xi32, #tpu.memory_space<vmem>>
    %dma_start3A_24 = arith.constant 0 : i32
    %dma_start3A_25 = arith.constant 0 : i32
    %dma_start3A_26 = tpu.memref_slice %arg3[%dma_start3A_24, %dma_start3A_25] : memref<102400x64xf32, #tpu.memory_space<hbm>> -> memref<102400x64xf32, #tpu.memory_space<hbm>>
    tpu.enqueue_indirect_dma source(%dma_start3A_26 : memref<102400x64xf32, #tpu.memory_space<hbm>>) target(%arg8 : memref<128x64xf32, #tpu.memory_space<vmem>>) offsets(%dma_start3A_23 : memref<128xi32, #tpu.memory_space<vmem>>) semaphore(%arg13 : memref<!tpu.dma_semaphore, #tpu.memory_space<semaphore_mem>>)
    %scan3A = arith.constant 0 : i32
    %scan3A_27 = arith.constant 5 : i32
    %scan3A_28 = arith.addi %scan3A, %scan3A_27 : i32
    %scan3A_29 = arith.constant 1 : i32
    scf.for %scan3A_42 = %scan3A to %scan3A_28 step %scan3A_29  : i32 {
      %mul3A_43 = arith.constant 1 : i32
      %mul3A_44 = arith.muli %scan3A_42, %mul3A_43 : i32
      %add3A_45 = arith.constant 0 : i32
      %add3A_46 = arith.addi %add3A_45, %mul3A_44 : i32
      %mul3A_47 = arith.constant 5 : i32
      %mul3A_48 = arith.muli %add3A_46, %mul3A_47 : i32
      %add3A_49 = arith.constant 0 : i32
      %add3A_50 = arith.addi %mul3A_48, %add3A_49 : i32
      %gt3A = arith.constant 0 : i32
      %gt3A_51 = arith.cmpi sgt, %add3A_46, %gt3A : i32
      %convert_element_type3A = arith.extui %gt3A_51 : i1 to i32
      %cond3A = arith.constant 0 : i32
      %cond3A_52 = arith.cmpi ne, %convert_element_type3A, %cond3A : i32
      scf.if %cond3A_52 {
        %add3A_197 = arith.constant 3 : i32
        %add3A_198 = arith.addi %add3A_50, %add3A_197 : i32
        %sub3A_199 = arith.constant 5 : i32
        %sub3A_200 = arith.subi %add3A_198, %sub3A_199 : i32
        %mul3A_201 = arith.constant 128 : i32
        %mul3A_202 = arith.muli %sub3A_200, %mul3A_201 : i32
        %add3A_203 = arith.addi %mul3A_4, %mul3A_202 : i32
        %dma_wait3A_204 = arith.constant 0 : i32
        %dma_wait3A_205 = tpu.memref_slice %arg4[%add3A_203, %dma_wait3A_204] : memref<102400x64xf32, #tpu.memory_space<hbm>> -> memref<128x64xf32, #tpu.memory_space<hbm>>
        %dma_wait3A_206 = arith.constant 0 : i32
        %dma_wait3A_207 = tpu.memref_slice %arg4[%add3A_203, %dma_wait3A_206] : memref<102400x64xf32, #tpu.memory_space<hbm>> -> memref<128x64xf32, #tpu.memory_space<hbm>>
        tpu.wait_dma2 semaphore(%arg19 : memref<!tpu.dma_semaphore, #tpu.memory_space<semaphore_mem>>) src(%arg9 : memref<128x64xf32, #tpu.memory_space<vmem>>) dst(%dma_wait3A_207 : memref<128x64xf32, #tpu.memory_space<hbm>>)
      } else {
      }
      %add3A_53 = arith.constant 3 : i32
      %add3A_54 = arith.addi %add3A_50, %add3A_53 : i32
      %lt3A = arith.constant 25 : i32
      %lt3A_55 = arith.cmpi slt, %add3A_54, %lt3A : i32
      %convert_element_type3A_56 = arith.extui %lt3A_55 : i1 to i32
      %cond3A_57 = arith.constant 0 : i32
      %cond3A_58 = arith.cmpi ne, %convert_element_type3A_56, %cond3A_57 : i32
      scf.if %cond3A_58 {
        %add3A_197 = arith.constant 3 : i32
        %add3A_198 = arith.addi %add3A_50, %add3A_197 : i32
        %dma_start3A_199 = arith.constant 0 : i32
        %dma_start3A_200 = tpu.memref_slice %arg5[%add3A_198, %dma_start3A_199] : memref<25x128xi32, #tpu.memory_space<vmem>> -> memref<1x128xi32, #tpu.memory_space<vmem>>
        %dma_start3A_201 = tpu.memref_squeeze %dma_start3A_200 : memref<1x128xi32, #tpu.memory_space<vmem>> -> memref<128xi32, #tpu.memory_space<vmem>>
        %dma_start3A_202 = arith.constant 0 : i32
        %dma_start3A_203 = arith.constant 0 : i32
        %dma_start3A_204 = tpu.memref_slice %arg3[%dma_start3A_202, %dma_start3A_203] : memref<102400x64xf32, #tpu.memory_space<hbm>> -> memref<102400x64xf32, #tpu.memory_space<hbm>>
        tpu.enqueue_indirect_dma source(%dma_start3A_204 : memref<102400x64xf32, #tpu.memory_space<hbm>>) target(%arg9 : memref<128x64xf32, #tpu.memory_space<vmem>>) offsets(%dma_start3A_201 : memref<128xi32, #tpu.memory_space<vmem>>) semaphore(%arg14 : memref<!tpu.dma_semaphore, #tpu.memory_space<semaphore_mem>>)
      } else {
      }
      %dma_wait3A_59 = arith.constant 0 : i32
      %dma_wait3A_60 = tpu.memref_slice %arg5[%add3A_50, %dma_wait3A_59] : memref<25x128xi32, #tpu.memory_space<vmem>> -> memref<1x128xi32, #tpu.memory_space<vmem>>
      %dma_wait3A_61 = tpu.memref_squeeze %dma_wait3A_60 : memref<1x128xi32, #tpu.memory_space<vmem>> -> memref<128xi32, #tpu.memory_space<vmem>>
      %dma_wait3A_62 = arith.constant 0 : i32
      %dma_wait3A_63 = arith.constant 0 : i32
      %dma_wait3A_64 = tpu.memref_slice %arg3[%dma_wait3A_62, %dma_wait3A_63] : memref<102400x64xf32, #tpu.memory_space<hbm>> -> memref<102400x64xf32, #tpu.memory_space<hbm>>
      tpu.wait_indirect_dma semaphore(%arg11 : memref<!tpu.dma_semaphore, #tpu.memory_space<semaphore_mem>>) src(%dma_wait3A_64 : memref<102400x64xf32, #tpu.memory_space<hbm>>) dst(%arg6 : memref<128x64xf32, #tpu.memory_space<vmem>>)
      %mul3A_65 = arith.constant 128 : i32
      %mul3A_66 = arith.muli %add3A_50, %mul3A_65 : i32
      %add3A_67 = arith.addi %mul3A_4, %mul3A_66 : i32
      %dma_start3A_68 = arith.constant 0 : i32
      %dma_start3A_69 = tpu.memref_slice %arg4[%add3A_67, %dma_start3A_68] : memref<102400x64xf32, #tpu.memory_space<hbm>> -> memref<128x64xf32, #tpu.memory_space<hbm>>
      %dma_start3A_70 = arith.constant 0 : i32
      %dma_start3A_71 = tpu.memref_slice %arg4[%add3A_67, %dma_start3A_70] : memref<102400x64xf32, #tpu.memory_space<hbm>> -> memref<128x64xf32, #tpu.memory_space<hbm>>
      tpu.enqueue_dma source(%arg6 : memref<128x64xf32, #tpu.memory_space<vmem>>) target(%dma_start3A_71 : memref<128x64xf32, #tpu.memory_space<hbm>>) target_semaphore(%arg16 : memref<!tpu.dma_semaphore, #tpu.memory_space<semaphore_mem>>)
      %add3A_72 = arith.constant 1 : i32
      %add3A_73 = arith.addi %mul3A_48, %add3A_72 : i32
      %gt3A_74 = arith.constant 0 : i32
      %gt3A_75 = arith.cmpi sgt, %add3A_46, %gt3A_74 : i32
      %convert_element_type3A_76 = arith.extui %gt3A_75 : i1 to i32
      %cond3A_77 = arith.constant 0 : i32
      %cond3A_78 = arith.cmpi ne, %convert_element_type3A_76, %cond3A_77 : i32
      scf.if %cond3A_78 {
        %add3A_197 = arith.constant 3 : i32
        %add3A_198 = arith.addi %add3A_73, %add3A_197 : i32
        %sub3A_199 = arith.constant 5 : i32
        %sub3A_200 = arith.subi %add3A_198, %sub3A_199 : i32
        %mul3A_201 = arith.constant 128 : i32
        %mul3A_202 = arith.muli %sub3A_200, %mul3A_201 : i32
        %add3A_203 = arith.addi %mul3A_4, %mul3A_202 : i32
        %dma_wait3A_204 = arith.constant 0 : i32
        %dma_wait3A_205 = tpu.memref_slice %arg4[%add3A_203, %dma_wait3A_204] : memref<102400x64xf32, #tpu.memory_space<hbm>> -> memref<128x64xf32, #tpu.memory_space<hbm>>
        %dma_wait3A_206 = arith.constant 0 : i32
        %dma_wait3A_207 = tpu.memref_slice %arg4[%add3A_203, %dma_wait3A_206] : memref<102400x64xf32, #tpu.memory_space<hbm>> -> memref<128x64xf32, #tpu.memory_space<hbm>>
        tpu.wait_dma2 semaphore(%arg20 : memref<!tpu.dma_semaphore, #tpu.memory_space<semaphore_mem>>) src(%arg10 : memref<128x64xf32, #tpu.memory_space<vmem>>) dst(%dma_wait3A_207 : memref<128x64xf32, #tpu.memory_space<hbm>>)
      } else {
      }
      %add3A_79 = arith.constant 3 : i32
      %add3A_80 = arith.addi %add3A_73, %add3A_79 : i32
      %lt3A_81 = arith.constant 25 : i32
      %lt3A_82 = arith.cmpi slt, %add3A_80, %lt3A_81 : i32
      %convert_element_type3A_83 = arith.extui %lt3A_82 : i1 to i32
      %cond3A_84 = arith.constant 0 : i32
      %cond3A_85 = arith.cmpi ne, %convert_element_type3A_83, %cond3A_84 : i32
      scf.if %cond3A_85 {
        %add3A_197 = arith.constant 3 : i32
        %add3A_198 = arith.addi %add3A_73, %add3A_197 : i32
        %dma_start3A_199 = arith.constant 0 : i32
        %dma_start3A_200 = tpu.memref_slice %arg5[%add3A_198, %dma_start3A_199] : memref<25x128xi32, #tpu.memory_space<vmem>> -> memref<1x128xi32, #tpu.memory_space<vmem>>
        %dma_start3A_201 = tpu.memref_squeeze %dma_start3A_200 : memref<1x128xi32, #tpu.memory_space<vmem>> -> memref<128xi32, #tpu.memory_space<vmem>>
        %dma_start3A_202 = arith.constant 0 : i32
        %dma_start3A_203 = arith.constant 0 : i32
        %dma_start3A_204 = tpu.memref_slice %arg3[%dma_start3A_202, %dma_start3A_203] : memref<102400x64xf32, #tpu.memory_space<hbm>> -> memref<102400x64xf32, #tpu.memory_space<hbm>>
        tpu.enqueue_indirect_dma source(%dma_start3A_204 : memref<102400x64xf32, #tpu.memory_space<hbm>>) target(%arg10 : memref<128x64xf32, #tpu.memory_space<vmem>>) offsets(%dma_start3A_201 : memref<128xi32, #tpu.memory_space<vmem>>) semaphore(%arg15 : memref<!tpu.dma_semaphore, #tpu.memory_space<semaphore_mem>>)
      } else {
      }
      %dma_wait3A_86 = arith.constant 0 : i32
      %dma_wait3A_87 = tpu.memref_slice %arg5[%add3A_73, %dma_wait3A_86] : memref<25x128xi32, #tpu.memory_space<vmem>> -> memref<1x128xi32, #tpu.memory_space<vmem>>
      %dma_wait3A_88 = tpu.memref_squeeze %dma_wait3A_87 : memref<1x128xi32, #tpu.memory_space<vmem>> -> memref<128xi32, #tpu.memory_space<vmem>>
      %dma_wait3A_89 = arith.constant 0 : i32
      %dma_wait3A_90 = arith.constant 0 : i32
      %dma_wait3A_91 = tpu.memref_slice %arg3[%dma_wait3A_89, %dma_wait3A_90] : memref<102400x64xf32, #tpu.memory_space<hbm>> -> memref<102400x64xf32, #tpu.memory_space<hbm>>
      tpu.wait_indirect_dma semaphore(%arg12 : memref<!tpu.dma_semaphore, #tpu.memory_space<semaphore_mem>>) src(%dma_wait3A_91 : memref<102400x64xf32, #tpu.memory_space<hbm>>) dst(%arg7 : memref<128x64xf32, #tpu.memory_space<vmem>>)
      %mul3A_92 = arith.constant 128 : i32
      %mul3A_93 = arith.muli %add3A_73, %mul3A_92 : i32
      %add3A_94 = arith.addi %mul3A_4, %mul3A_93 : i32
      %dma_start3A_95 = arith.constant 0 : i32
      %dma_start3A_96 = tpu.memref_slice %arg4[%add3A_94, %dma_start3A_95] : memref<102400x64xf32, #tpu.memory_space<hbm>> -> memref<128x64xf32, #tpu.memory_space<hbm>>
      %dma_start3A_97 = arith.constant 0 : i32
      %dma_start3A_98 = tpu.memref_slice %arg4[%add3A_94, %dma_start3A_97] : memref<102400x64xf32, #tpu.memory_space<hbm>> -> memref<128x64xf32, #tpu.memory_space<hbm>>
      tpu.enqueue_dma source(%arg7 : memref<128x64xf32, #tpu.memory_space<vmem>>) target(%dma_start3A_98 : memref<128x64xf32, #tpu.memory_space<hbm>>) target_semaphore(%arg17 : memref<!tpu.dma_semaphore, #tpu.memory_space<semaphore_mem>>)
      %add3A_99 = arith.constant 2 : i32
      %add3A_100 = arith.addi %mul3A_48, %add3A_99 : i32
      %add3A_101 = arith.constant 3 : i32
      %add3A_102 = arith.addi %add3A_100, %add3A_101 : i32
      %sub3A = arith.constant 5 : i32
      %sub3A_103 = arith.subi %add3A_102, %sub3A : i32
      %mul3A_104 = arith.constant 128 : i32
      %mul3A_105 = arith.muli %sub3A_103, %mul3A_104 : i32
      %add3A_106 = arith.addi %mul3A_4, %mul3A_105 : i32
      %dma_wait3A_107 = arith.constant 0 : i32
      %dma_wait3A_108 = tpu.memref_slice %arg4[%add3A_106, %dma_wait3A_107] : memref<102400x64xf32, #tpu.memory_space<hbm>> -> memref<128x64xf32, #tpu.memory_space<hbm>>
      %dma_wait3A_109 = arith.constant 0 : i32
      %dma_wait3A_110 = tpu.memref_slice %arg4[%add3A_106, %dma_wait3A_109] : memref<102400x64xf32, #tpu.memory_space<hbm>> -> memref<128x64xf32, #tpu.memory_space<hbm>>
      tpu.wait_dma2 semaphore(%arg16 : memref<!tpu.dma_semaphore, #tpu.memory_space<semaphore_mem>>) src(%arg6 : memref<128x64xf32, #tpu.memory_space<vmem>>) dst(%dma_wait3A_110 : memref<128x64xf32, #tpu.memory_space<hbm>>)
      %add3A_111 = arith.constant 3 : i32
      %add3A_112 = arith.addi %add3A_100, %add3A_111 : i32
      %lt3A_113 = arith.constant 25 : i32
      %lt3A_114 = arith.cmpi slt, %add3A_112, %lt3A_113 : i32
      %convert_element_type3A_115 = arith.extui %lt3A_114 : i1 to i32
      %cond3A_116 = arith.constant 0 : i32
      %cond3A_117 = arith.cmpi ne, %convert_element_type3A_115, %cond3A_116 : i32
      scf.if %cond3A_117 {
        %add3A_197 = arith.constant 3 : i32
        %add3A_198 = arith.addi %add3A_100, %add3A_197 : i32
        %dma_start3A_199 = arith.constant 0 : i32
        %dma_start3A_200 = tpu.memref_slice %arg5[%add3A_198, %dma_start3A_199] : memref<25x128xi32, #tpu.memory_space<vmem>> -> memref<1x128xi32, #tpu.memory_space<vmem>>
        %dma_start3A_201 = tpu.memref_squeeze %dma_start3A_200 : memref<1x128xi32, #tpu.memory_space<vmem>> -> memref<128xi32, #tpu.memory_space<vmem>>
        %dma_start3A_202 = arith.constant 0 : i32
        %dma_start3A_203 = arith.constant 0 : i32
        %dma_start3A_204 = tpu.memref_slice %arg3[%dma_start3A_202, %dma_start3A_203] : memref<102400x64xf32, #tpu.memory_space<hbm>> -> memref<102400x64xf32, #tpu.memory_space<hbm>>
        tpu.enqueue_indirect_dma source(%dma_start3A_204 : memref<102400x64xf32, #tpu.memory_space<hbm>>) target(%arg6 : memref<128x64xf32, #tpu.memory_space<vmem>>) offsets(%dma_start3A_201 : memref<128xi32, #tpu.memory_space<vmem>>) semaphore(%arg11 : memref<!tpu.dma_semaphore, #tpu.memory_space<semaphore_mem>>)
      } else {
      }
      %dma_wait3A_118 = arith.constant 0 : i32
      %dma_wait3A_119 = tpu.memref_slice %arg5[%add3A_100, %dma_wait3A_118] : memref<25x128xi32, #tpu.memory_space<vmem>> -> memref<1x128xi32, #tpu.memory_space<vmem>>
      %dma_wait3A_120 = tpu.memref_squeeze %dma_wait3A_119 : memref<1x128xi32, #tpu.memory_space<vmem>> -> memref<128xi32, #tpu.memory_space<vmem>>
      %dma_wait3A_121 = arith.constant 0 : i32
      %dma_wait3A_122 = arith.constant 0 : i32
      %dma_wait3A_123 = tpu.memref_slice %arg3[%dma_wait3A_121, %dma_wait3A_122] : memref<102400x64xf32, #tpu.memory_space<hbm>> -> memref<102400x64xf32, #tpu.memory_space<hbm>>
      tpu.wait_indirect_dma semaphore(%arg13 : memref<!tpu.dma_semaphore, #tpu.memory_space<semaphore_mem>>) src(%dma_wait3A_123 : memref<102400x64xf32, #tpu.memory_space<hbm>>) dst(%arg8 : memref<128x64xf32, #tpu.memory_space<vmem>>)
      %mul3A_124 = arith.constant 128 : i32
      %mul3A_125 = arith.muli %add3A_100, %mul3A_124 : i32
      %add3A_126 = arith.addi %mul3A_4, %mul3A_125 : i32
      %dma_start3A_127 = arith.constant 0 : i32
      %dma_start3A_128 = tpu.memref_slice %arg4[%add3A_126, %dma_start3A_127] : memref<102400x64xf32, #tpu.memory_space<hbm>> -> memref<128x64xf32, #tpu.memory_space<hbm>>
      %dma_start3A_129 = arith.constant 0 : i32
      %dma_start3A_130 = tpu.memref_slice %arg4[%add3A_126, %dma_start3A_129] : memref<102400x64xf32, #tpu.memory_space<hbm>> -> memref<128x64xf32, #tpu.memory_space<hbm>>
      tpu.enqueue_dma source(%arg8 : memref<128x64xf32, #tpu.memory_space<vmem>>) target(%dma_start3A_130 : memref<128x64xf32, #tpu.memory_space<hbm>>) target_semaphore(%arg18 : memref<!tpu.dma_semaphore, #tpu.memory_space<semaphore_mem>>)
      %add3A_131 = arith.constant 3 : i32
      %add3A_132 = arith.addi %mul3A_48, %add3A_131 : i32
      %add3A_133 = arith.constant 3 : i32
      %add3A_134 = arith.addi %add3A_132, %add3A_133 : i32
      %sub3A_135 = arith.constant 5 : i32
      %sub3A_136 = arith.subi %add3A_134, %sub3A_135 : i32
      %mul3A_137 = arith.constant 128 : i32
      %mul3A_138 = arith.muli %sub3A_136, %mul3A_137 : i32
      %add3A_139 = arith.addi %mul3A_4, %mul3A_138 : i32
      %dma_wait3A_140 = arith.constant 0 : i32
      %dma_wait3A_141 = tpu.memref_slice %arg4[%add3A_139, %dma_wait3A_140] : memref<102400x64xf32, #tpu.memory_space<hbm>> -> memref<128x64xf32, #tpu.memory_space<hbm>>
      %dma_wait3A_142 = arith.constant 0 : i32
      %dma_wait3A_143 = tpu.memref_slice %arg4[%add3A_139, %dma_wait3A_142] : memref<102400x64xf32, #tpu.memory_space<hbm>> -> memref<128x64xf32, #tpu.memory_space<hbm>>
      tpu.wait_dma2 semaphore(%arg17 : memref<!tpu.dma_semaphore, #tpu.memory_space<semaphore_mem>>) src(%arg7 : memref<128x64xf32, #tpu.memory_space<vmem>>) dst(%dma_wait3A_143 : memref<128x64xf32, #tpu.memory_space<hbm>>)
      %add3A_144 = arith.constant 3 : i32
      %add3A_145 = arith.addi %add3A_132, %add3A_144 : i32
      %lt3A_146 = arith.constant 25 : i32
      %lt3A_147 = arith.cmpi slt, %add3A_145, %lt3A_146 : i32
      %convert_element_type3A_148 = arith.extui %lt3A_147 : i1 to i32
      %cond3A_149 = arith.constant 0 : i32
      %cond3A_150 = arith.cmpi ne, %convert_element_type3A_148, %cond3A_149 : i32
      scf.if %cond3A_150 {
        %add3A_197 = arith.constant 3 : i32
        %add3A_198 = arith.addi %add3A_132, %add3A_197 : i32
        %dma_start3A_199 = arith.constant 0 : i32
        %dma_start3A_200 = tpu.memref_slice %arg5[%add3A_198, %dma_start3A_199] : memref<25x128xi32, #tpu.memory_space<vmem>> -> memref<1x128xi32, #tpu.memory_space<vmem>>
        %dma_start3A_201 = tpu.memref_squeeze %dma_start3A_200 : memref<1x128xi32, #tpu.memory_space<vmem>> -> memref<128xi32, #tpu.memory_space<vmem>>
        %dma_start3A_202 = arith.constant 0 : i32
        %dma_start3A_203 = arith.constant 0 : i32
        %dma_start3A_204 = tpu.memref_slice %arg3[%dma_start3A_202, %dma_start3A_203] : memref<102400x64xf32, #tpu.memory_space<hbm>> -> memref<102400x64xf32, #tpu.memory_space<hbm>>
        tpu.enqueue_indirect_dma source(%dma_start3A_204 : memref<102400x64xf32, #tpu.memory_space<hbm>>) target(%arg7 : memref<128x64xf32, #tpu.memory_space<vmem>>) offsets(%dma_start3A_201 : memref<128xi32, #tpu.memory_space<vmem>>) semaphore(%arg12 : memref<!tpu.dma_semaphore, #tpu.memory_space<semaphore_mem>>)
      } else {
      }
      %dma_wait3A_151 = arith.constant 0 : i32
      %dma_wait3A_152 = tpu.memref_slice %arg5[%add3A_132, %dma_wait3A_151] : memref<25x128xi32, #tpu.memory_space<vmem>> -> memref<1x128xi32, #tpu.memory_space<vmem>>
      %dma_wait3A_153 = tpu.memref_squeeze %dma_wait3A_152 : memref<1x128xi32, #tpu.memory_space<vmem>> -> memref<128xi32, #tpu.memory_space<vmem>>
      %dma_wait3A_154 = arith.constant 0 : i32
      %dma_wait3A_155 = arith.constant 0 : i32
      %dma_wait3A_156 = tpu.memref_slice %arg3[%dma_wait3A_154, %dma_wait3A_155] : memref<102400x64xf32, #tpu.memory_space<hbm>> -> memref<102400x64xf32, #tpu.memory_space<hbm>>
      tpu.wait_indirect_dma semaphore(%arg14 : memref<!tpu.dma_semaphore, #tpu.memory_space<semaphore_mem>>) src(%dma_wait3A_156 : memref<102400x64xf32, #tpu.memory_space<hbm>>) dst(%arg9 : memref<128x64xf32, #tpu.memory_space<vmem>>)
      %mul3A_157 = arith.constant 128 : i32
      %mul3A_158 = arith.muli %add3A_132, %mul3A_157 : i32
      %add3A_159 = arith.addi %mul3A_4, %mul3A_158 : i32
      %dma_start3A_160 = arith.constant 0 : i32
      %dma_start3A_161 = tpu.memref_slice %arg4[%add3A_159, %dma_start3A_160] : memref<102400x64xf32, #tpu.memory_space<hbm>> -> memref<128x64xf32, #tpu.memory_space<hbm>>
      %dma_start3A_162 = arith.constant 0 : i32
      %dma_start3A_163 = tpu.memref_slice %arg4[%add3A_159, %dma_start3A_162] : memref<102400x64xf32, #tpu.memory_space<hbm>> -> memref<128x64xf32, #tpu.memory_space<hbm>>
      tpu.enqueue_dma source(%arg9 : memref<128x64xf32, #tpu.memory_space<vmem>>) target(%dma_start3A_163 : memref<128x64xf32, #tpu.memory_space<hbm>>) target_semaphore(%arg19 : memref<!tpu.dma_semaphore, #tpu.memory_space<semaphore_mem>>)
      %add3A_164 = arith.constant 4 : i32
      %add3A_165 = arith.addi %mul3A_48, %add3A_164 : i32
      %add3A_166 = arith.constant 3 : i32
      %add3A_167 = arith.addi %add3A_165, %add3A_166 : i32
      %sub3A_168 = arith.constant 5 : i32
      %sub3A_169 = arith.subi %add3A_167, %sub3A_168 : i32
      %mul3A_170 = arith.constant 128 : i32
      %mul3A_171 = arith.muli %sub3A_169, %mul3A_170 : i32
      %add3A_172 = arith.addi %mul3A_4, %mul3A_171 : i32
      %dma_wait3A_173 = arith.constant 0 : i32
      %dma_wait3A_174 = tpu.memref_slice %arg4[%add3A_172, %dma_wait3A_173] : memref<102400x64xf32, #tpu.memory_space<hbm>> -> memref<128x64xf32, #tpu.memory_space<hbm>>
      %dma_wait3A_175 = arith.constant 0 : i32
      %dma_wait3A_176 = tpu.memref_slice %arg4[%add3A_172, %dma_wait3A_175] : memref<102400x64xf32, #tpu.memory_space<hbm>> -> memref<128x64xf32, #tpu.memory_space<hbm>>
      tpu.wait_dma2 semaphore(%arg18 : memref<!tpu.dma_semaphore, #tpu.memory_space<semaphore_mem>>) src(%arg8 : memref<128x64xf32, #tpu.memory_space<vmem>>) dst(%dma_wait3A_176 : memref<128x64xf32, #tpu.memory_space<hbm>>)
      %add3A_177 = arith.constant 3 : i32
      %add3A_178 = arith.addi %add3A_165, %add3A_177 : i32
      %lt3A_179 = arith.constant 25 : i32
      %lt3A_180 = arith.cmpi slt, %add3A_178, %lt3A_179 : i32
      %convert_element_type3A_181 = arith.extui %lt3A_180 : i1 to i32
      %cond3A_182 = arith.constant 0 : i32
      %cond3A_183 = arith.cmpi ne, %convert_element_type3A_181, %cond3A_182 : i32
      scf.if %cond3A_183 {
        %add3A_197 = arith.constant 3 : i32
        %add3A_198 = arith.addi %add3A_165, %add3A_197 : i32
        %dma_start3A_199 = arith.constant 0 : i32
        %dma_start3A_200 = tpu.memref_slice %arg5[%add3A_198, %dma_start3A_199] : memref<25x128xi32, #tpu.memory_space<vmem>> -> memref<1x128xi32, #tpu.memory_space<vmem>>
        %dma_start3A_201 = tpu.memref_squeeze %dma_start3A_200 : memref<1x128xi32, #tpu.memory_space<vmem>> -> memref<128xi32, #tpu.memory_space<vmem>>
        %dma_start3A_202 = arith.constant 0 : i32
        %dma_start3A_203 = arith.constant 0 : i32
        %dma_start3A_204 = tpu.memref_slice %arg3[%dma_start3A_202, %dma_start3A_203] : memref<102400x64xf32, #tpu.memory_space<hbm>> -> memref<102400x64xf32, #tpu.memory_space<hbm>>
        tpu.enqueue_indirect_dma source(%dma_start3A_204 : memref<102400x64xf32, #tpu.memory_space<hbm>>) target(%arg8 : memref<128x64xf32, #tpu.memory_space<vmem>>) offsets(%dma_start3A_201 : memref<128xi32, #tpu.memory_space<vmem>>) semaphore(%arg13 : memref<!tpu.dma_semaphore, #tpu.memory_space<semaphore_mem>>)
      } else {
      }
      %dma_wait3A_184 = arith.constant 0 : i32
      %dma_wait3A_185 = tpu.memref_slice %arg5[%add3A_165, %dma_wait3A_184] : memref<25x128xi32, #tpu.memory_space<vmem>> -> memref<1x128xi32, #tpu.memory_space<vmem>>
      %dma_wait3A_186 = tpu.memref_squeeze %dma_wait3A_185 : memref<1x128xi32, #tpu.memory_space<vmem>> -> memref<128xi32, #tpu.memory_space<vmem>>
      %dma_wait3A_187 = arith.constant 0 : i32
      %dma_wait3A_188 = arith.constant 0 : i32
      %dma_wait3A_189 = tpu.memref_slice %arg3[%dma_wait3A_187, %dma_wait3A_188] : memref<102400x64xf32, #tpu.memory_space<hbm>> -> memref<102400x64xf32, #tpu.memory_space<hbm>>
      tpu.wait_indirect_dma semaphore(%arg15 : memref<!tpu.dma_semaphore, #tpu.memory_space<semaphore_mem>>) src(%dma_wait3A_189 : memref<102400x64xf32, #tpu.memory_space<hbm>>) dst(%arg10 : memref<128x64xf32, #tpu.memory_space<vmem>>)
      %mul3A_190 = arith.constant 128 : i32
      %mul3A_191 = arith.muli %add3A_165, %mul3A_190 : i32
      %add3A_192 = arith.addi %mul3A_4, %mul3A_191 : i32
      %dma_start3A_193 = arith.constant 0 : i32
      %dma_start3A_194 = tpu.memref_slice %arg4[%add3A_192, %dma_start3A_193] : memref<102400x64xf32, #tpu.memory_space<hbm>> -> memref<128x64xf32, #tpu.memory_space<hbm>>
      %dma_start3A_195 = arith.constant 0 : i32
      %dma_start3A_196 = tpu.memref_slice %arg4[%add3A_192, %dma_start3A_195] : memref<102400x64xf32, #tpu.memory_space<hbm>> -> memref<128x64xf32, #tpu.memory_space<hbm>>
      tpu.enqueue_dma source(%arg10 : memref<128x64xf32, #tpu.memory_space<vmem>>) target(%dma_start3A_196 : memref<128x64xf32, #tpu.memory_space<hbm>>) target_semaphore(%arg20 : memref<!tpu.dma_semaphore, #tpu.memory_space<semaphore_mem>>)
    }
    %scan3A_30 = arith.constant 5 : i32
    %add3A_31 = arith.constant 2944 : i32
    %add3A_32 = arith.addi %mul3A_4, %add3A_31 : i32
    %dma_wait3A = arith.constant 0 : i32
    %dma_wait3A_33 = tpu.memref_slice %arg4[%add3A_32, %dma_wait3A] : memref<102400x64xf32, #tpu.memory_space<hbm>> -> memref<128x64xf32, #tpu.memory_space<hbm>>
    %dma_wait3A_34 = arith.constant 0 : i32
    %dma_wait3A_35 = tpu.memref_slice %arg4[%add3A_32, %dma_wait3A_34] : memref<102400x64xf32, #tpu.memory_space<hbm>> -> memref<128x64xf32, #tpu.memory_space<hbm>>
    tpu.wait_dma2 semaphore(%arg19 : memref<!tpu.dma_semaphore, #tpu.memory_space<semaphore_mem>>) src(%arg9 : memref<128x64xf32, #tpu.memory_space<vmem>>) dst(%dma_wait3A_35 : memref<128x64xf32, #tpu.memory_space<hbm>>)
    %add3A_36 = arith.constant 3072 : i32
    %add3A_37 = arith.addi %mul3A_4, %add3A_36 : i32
    %dma_wait3A_38 = arith.constant 0 : i32
    %dma_wait3A_39 = tpu.memref_slice %arg4[%add3A_37, %dma_wait3A_38] : memref<102400x64xf32, #tpu.memory_space<hbm>> -> memref<128x64xf32, #tpu.memory_space<hbm>>
    %dma_wait3A_40 = arith.constant 0 : i32
    %dma_wait3A_41 = tpu.memref_slice %arg4[%add3A_37, %dma_wait3A_40] : memref<102400x64xf32, #tpu.memory_space<hbm>> -> memref<128x64xf32, #tpu.memory_space<hbm>>
    tpu.wait_dma2 semaphore(%arg20 : memref<!tpu.dma_semaphore, #tpu.memory_space<semaphore_mem>>) src(%arg10 : memref<128x64xf32, #tpu.memory_space<vmem>>) dst(%dma_wait3A_41 : memref<128x64xf32, #tpu.memory_space<hbm>>)
    return
  }
}

#map = affine_map<(d0, d1) -> (0, 0)>
module attributes {stable_mosaic.version = 14 : i64} {
  func.func @_gather_body(%arg0: i32, %arg1: i32, %arg2: memref<800x128xi32, #tpu.memory_space<hbm>>, %arg3: memref<102400x64xf32, #tpu.memory_space<hbm>>, %arg4: memref<102400x64xf32, #tpu.memory_space<hbm>>, %arg5: memref<25x128xi32, #tpu.memory_space<vmem>>, %arg6: memref<128x64xf32, #tpu.memory_space<vmem>>, %arg7: memref<128x64xf32, #tpu.memory_space<vmem>>, %arg8: memref<128x64xf32, #tpu.memory_space<vmem>>, %arg9: memref<128x64xf32, #tpu.memory_space<vmem>>, %arg10: memref<128x64xf32, #tpu.memory_space<vmem>>, %arg11: memref<!tpu.dma_semaphore, #tpu.memory_space<semaphore_mem>>, %arg12: memref<!tpu.dma_semaphore, #tpu.memory_space<semaphore_mem>>, %arg13: memref<!tpu.dma_semaphore, #tpu.memory_space<semaphore_mem>>, %arg14: memref<!tpu.dma_semaphore, #tpu.memory_space<semaphore_mem>>, %arg15: memref<!tpu.dma_semaphore, #tpu.memory_space<semaphore_mem>>, %arg16: memref<!tpu.dma_semaphore, #tpu.memory_space<semaphore_mem>>, %arg17: memref<!tpu.dma_semaphore, #tpu.memory_space<semaphore_mem>>, %arg18: memref<!tpu.dma_semaphore, #tpu.memory_space<semaphore_mem>>, %arg19: memref<!tpu.dma_semaphore, #tpu.memory_space<semaphore_mem>>, %arg20: memref<!tpu.dma_semaphore, #tpu.memory_space<semaphore_mem>>) attributes {dimension_semantics = [#tpu.dimension_semantics<core_parallel>, #tpu.dimension_semantics<subcore_parallel>], iteration_bounds = array<i64: 2, 16>, scalar_prefetch = 0 : i64, scratch_operands = 16 : i64, tpu.core_type = #tpu.core_type<sc_vector_subcore>, window_params = [{transform_indices = #map}, {transform_indices = #map}, {transform_indices = #map}]} {
    %mul3A = arith.constant 2 : i32
    %mul3A_0 = arith.muli %arg1, %mul3A : i32
    %add3A = arith.addi %mul3A_0, %arg0 : i32
    %mul3A_1 = arith.constant 25 : i32
    %mul3A_2 = arith.muli %add3A, %mul3A_1 : i32
    %mul3A_3 = arith.constant 128 : i32
    %mul3A_4 = arith.muli %mul3A_2, %mul3A_3 : i32
    %mul3A_5 = arith.constant 25 : i32
    %mul3A_6 = arith.muli %add3A, %mul3A_5 : i32
    "tpu.region"() ({
      %run_scoped3A = tpu.sem_alloc : memref<!tpu.dma_semaphore, #tpu.memory_space<semaphore_mem>>
      %dma_start3A_42 = arith.constant 0 : i32
      %dma_start3A_43 = tpu.memref_slice %arg2[%mul3A_6, %dma_start3A_42] : memref<800x128xi32, #tpu.memory_space<hbm>> -> memref<25x128xi32, #tpu.memory_space<hbm>>
      %dma_start3A_44 = arith.constant 0 : i32
      %dma_start3A_45 = tpu.memref_slice %arg2[%mul3A_6, %dma_start3A_44] : memref<800x128xi32, #tpu.memory_space<hbm>> -> memref<25x128xi32, #tpu.memory_space<hbm>>
      tpu.enqueue_dma source(%dma_start3A_45 : memref<25x128xi32, #tpu.memory_space<hbm>>) target(%arg5 : memref<25x128xi32, #tpu.memory_space<vmem>>) target_semaphore(%run_scoped3A : memref<!tpu.dma_semaphore, #tpu.memory_space<semaphore_mem>>)
      %dma_wait3A_46 = arith.constant 0 : i32
      %dma_wait3A_47 = tpu.memref_slice %arg2[%mul3A_6, %dma_wait3A_46] : memref<800x128xi32, #tpu.memory_space<hbm>> -> memref<25x128xi32, #tpu.memory_space<hbm>>
      %dma_wait3A_48 = arith.constant 0 : i32
      %dma_wait3A_49 = tpu.memref_slice %arg2[%mul3A_6, %dma_wait3A_48] : memref<800x128xi32, #tpu.memory_space<hbm>> -> memref<25x128xi32, #tpu.memory_space<hbm>>
      tpu.wait_dma2 semaphore(%run_scoped3A : memref<!tpu.dma_semaphore, #tpu.memory_space<semaphore_mem>>) src(%dma_wait3A_49 : memref<25x128xi32, #tpu.memory_space<hbm>>) dst(%arg5 : memref<25x128xi32, #tpu.memory_space<vmem>>)
      tpu.yield
    }) : () -> ()
    %dma_start3A = arith.constant 0 : i32
    %dma_start3A_7 = arith.constant 0 : i32
    %dma_start3A_8 = tpu.memref_slice %arg5[%dma_start3A, %dma_start3A_7] : memref<25x128xi32, #tpu.memory_space<vmem>> -> memref<1x128xi32, #tpu.memory_space<vmem>>
    %dma_start3A_9 = tpu.memref_squeeze %dma_start3A_8 : memref<1x128xi32, #tpu.memory_space<vmem>> -> memref<128xi32, #tpu.memory_space<vmem>>
    %dma_start3A_10 = arith.constant 0 : i32
    %dma_start3A_11 = arith.constant 0 : i32
    %dma_start3A_12 = tpu.memref_slice %arg3[%dma_start3A_10, %dma_start3A_11] : memref<102400x64xf32, #tpu.memory_space<hbm>> -> memref<102400x64xf32, #tpu.memory_space<hbm>>
    tpu.enqueue_indirect_dma source(%dma_start3A_12 : memref<102400x64xf32, #tpu.memory_space<hbm>>) target(%arg6 : memref<128x64xf32, #tpu.memory_space<vmem>>) offsets(%dma_start3A_9 : memref<128xi32, #tpu.memory_space<vmem>>) semaphore(%arg11 : memref<!tpu.dma_semaphore, #tpu.memory_space<semaphore_mem>>)
    %dma_start3A_13 = arith.constant 1 : i32
    %dma_start3A_14 = arith.constant 0 : i32
    %dma_start3A_15 = tpu.memref_slice %arg5[%dma_start3A_13, %dma_start3A_14] : memref<25x128xi32, #tpu.memory_space<vmem>> -> memref<1x128xi32, #tpu.memory_space<vmem>>
    %dma_start3A_16 = tpu.memref_squeeze %dma_start3A_15 : memref<1x128xi32, #tpu.memory_space<vmem>> -> memref<128xi32, #tpu.memory_space<vmem>>
    %dma_start3A_17 = arith.constant 0 : i32
    %dma_start3A_18 = arith.constant 0 : i32
    %dma_start3A_19 = tpu.memref_slice %arg3[%dma_start3A_17, %dma_start3A_18] : memref<102400x64xf32, #tpu.memory_space<hbm>> -> memref<102400x64xf32, #tpu.memory_space<hbm>>
    tpu.enqueue_indirect_dma source(%dma_start3A_19 : memref<102400x64xf32, #tpu.memory_space<hbm>>) target(%arg7 : memref<128x64xf32, #tpu.memory_space<vmem>>) offsets(%dma_start3A_16 : memref<128xi32, #tpu.memory_space<vmem>>) semaphore(%arg12 : memref<!tpu.dma_semaphore, #tpu.memory_space<semaphore_mem>>)
    %dma_start3A_20 = arith.constant 2 : i32
    %dma_start3A_21 = arith.constant 0 : i32
    %dma_start3A_22 = tpu.memref_slice %arg5[%dma_start3A_20, %dma_start3A_21] : memref<25x128xi32, #tpu.memory_space<vmem>> -> memref<1x128xi32, #tpu.memory_space<vmem>>
    %dma_start3A_23 = tpu.memref_squeeze %dma_start3A_22 : memref<1x128xi32, #tpu.memory_space<vmem>> -> memref<128xi32, #tpu.memory_space<vmem>>
    %dma_start3A_24 = arith.constant 0 : i32
    %dma_start3A_25 = arith.constant 0 : i32
    %dma_start3A_26 = tpu.memref_slice %arg3[%dma_start3A_24, %dma_start3A_25] : memref<102400x64xf32, #tpu.memory_space<hbm>> -> memref<102400x64xf32, #tpu.memory_space<hbm>>
    tpu.enqueue_indirect_dma source(%dma_start3A_26 : memref<102400x64xf32, #tpu.memory_space<hbm>>) target(%arg8 : memref<128x64xf32, #tpu.memory_space<vmem>>) offsets(%dma_start3A_23 : memref<128xi32, #tpu.memory_space<vmem>>) semaphore(%arg13 : memref<!tpu.dma_semaphore, #tpu.memory_space<semaphore_mem>>)
    %scan3A = arith.constant 0 : i32
    %scan3A_27 = arith.constant 5 : i32
    %scan3A_28 = arith.addi %scan3A, %scan3A_27 : i32
    %scan3A_29 = arith.constant 1 : i32
    scf.for %scan3A_42 = %scan3A to %scan3A_28 step %scan3A_29  : i32 {
      %mul3A_43 = arith.constant 1 : i32
      %mul3A_44 = arith.muli %scan3A_42, %mul3A_43 : i32
      %add3A_45 = arith.constant 0 : i32
      %add3A_46 = arith.addi %add3A_45, %mul3A_44 : i32
      %mul3A_47 = arith.constant 5 : i32
      %mul3A_48 = arith.muli %add3A_46, %mul3A_47 : i32
      %add3A_49 = arith.constant 0 : i32
      %add3A_50 = arith.addi %mul3A_48, %add3A_49 : i32
      %gt3A = arith.constant 0 : i32
      %gt3A_51 = arith.cmpi sgt, %add3A_46, %gt3A : i32
      %convert_element_type3A = arith.extui %gt3A_51 : i1 to i32
      %cond3A = arith.constant 0 : i32
      %cond3A_52 = arith.cmpi ne, %convert_element_type3A, %cond3A : i32
      scf.if %cond3A_52 {
        %add3A_197 = arith.constant 3 : i32
        %add3A_198 = arith.addi %add3A_50, %add3A_197 : i32
        %sub3A_199 = arith.constant 5 : i32
        %sub3A_200 = arith.subi %add3A_198, %sub3A_199 : i32
        %mul3A_201 = arith.constant 128 : i32
        %mul3A_202 = arith.muli %sub3A_200, %mul3A_201 : i32
        %add3A_203 = arith.addi %mul3A_4, %mul3A_202 : i32
        %dma_wait3A_204 = arith.constant 0 : i32
        %dma_wait3A_205 = tpu.memref_slice %arg4[%add3A_203, %dma_wait3A_204] : memref<102400x64xf32, #tpu.memory_space<hbm>> -> memref<128x64xf32, #tpu.memory_space<hbm>>
        %dma_wait3A_206 = arith.constant 0 : i32
        %dma_wait3A_207 = tpu.memref_slice %arg4[%add3A_203, %dma_wait3A_206] : memref<102400x64xf32, #tpu.memory_space<hbm>> -> memref<128x64xf32, #tpu.memory_space<hbm>>
        tpu.wait_dma2 semaphore(%arg19 : memref<!tpu.dma_semaphore, #tpu.memory_space<semaphore_mem>>) src(%arg9 : memref<128x64xf32, #tpu.memory_space<vmem>>) dst(%dma_wait3A_207 : memref<128x64xf32, #tpu.memory_space<hbm>>)
      } else {
      }
      %add3A_53 = arith.constant 3 : i32
      %add3A_54 = arith.addi %add3A_50, %add3A_53 : i32
      %lt3A = arith.constant 25 : i32
      %lt3A_55 = arith.cmpi slt, %add3A_54, %lt3A : i32
      %convert_element_type3A_56 = arith.extui %lt3A_55 : i1 to i32
      %cond3A_57 = arith.constant 0 : i32
      %cond3A_58 = arith.cmpi ne, %convert_element_type3A_56, %cond3A_57 : i32
      scf.if %cond3A_58 {
        %add3A_197 = arith.constant 3 : i32
        %add3A_198 = arith.addi %add3A_50, %add3A_197 : i32
        %dma_start3A_199 = arith.constant 0 : i32
        %dma_start3A_200 = tpu.memref_slice %arg5[%add3A_198, %dma_start3A_199] : memref<25x128xi32, #tpu.memory_space<vmem>> -> memref<1x128xi32, #tpu.memory_space<vmem>>
        %dma_start3A_201 = tpu.memref_squeeze %dma_start3A_200 : memref<1x128xi32, #tpu.memory_space<vmem>> -> memref<128xi32, #tpu.memory_space<vmem>>
        %dma_start3A_202 = arith.constant 0 : i32
        %dma_start3A_203 = arith.constant 0 : i32
        %dma_start3A_204 = tpu.memref_slice %arg3[%dma_start3A_202, %dma_start3A_203] : memref<102400x64xf32, #tpu.memory_space<hbm>> -> memref<102400x64xf32, #tpu.memory_space<hbm>>
        tpu.enqueue_indirect_dma source(%dma_start3A_204 : memref<102400x64xf32, #tpu.memory_space<hbm>>) target(%arg9 : memref<128x64xf32, #tpu.memory_space<vmem>>) offsets(%dma_start3A_201 : memref<128xi32, #tpu.memory_space<vmem>>) semaphore(%arg14 : memref<!tpu.dma_semaphore, #tpu.memory_space<semaphore_mem>>)
      } else {
      }
      %dma_wait3A_59 = arith.constant 0 : i32
      %dma_wait3A_60 = tpu.memref_slice %arg5[%add3A_50, %dma_wait3A_59] : memref<25x128xi32, #tpu.memory_space<vmem>> -> memref<1x128xi32, #tpu.memory_space<vmem>>
      %dma_wait3A_61 = tpu.memref_squeeze %dma_wait3A_60 : memref<1x128xi32, #tpu.memory_space<vmem>> -> memref<128xi32, #tpu.memory_space<vmem>>
      %dma_wait3A_62 = arith.constant 0 : i32
      %dma_wait3A_63 = arith.constant 0 : i32
      %dma_wait3A_64 = tpu.memref_slice %arg3[%dma_wait3A_62, %dma_wait3A_63] : memref<102400x64xf32, #tpu.memory_space<hbm>> -> memref<102400x64xf32, #tpu.memory_space<hbm>>
      tpu.wait_indirect_dma semaphore(%arg11 : memref<!tpu.dma_semaphore, #tpu.memory_space<semaphore_mem>>) src(%dma_wait3A_64 : memref<102400x64xf32, #tpu.memory_space<hbm>>) dst(%arg6 : memref<128x64xf32, #tpu.memory_space<vmem>>)
      %mul3A_65 = arith.constant 128 : i32
      %mul3A_66 = arith.muli %add3A_50, %mul3A_65 : i32
      %add3A_67 = arith.addi %mul3A_4, %mul3A_66 : i32
      %dma_start3A_68 = arith.constant 0 : i32
      %dma_start3A_69 = tpu.memref_slice %arg4[%add3A_67, %dma_start3A_68] : memref<102400x64xf32, #tpu.memory_space<hbm>> -> memref<128x64xf32, #tpu.memory_space<hbm>>
      %dma_start3A_70 = arith.constant 0 : i32
      %dma_start3A_71 = tpu.memref_slice %arg4[%add3A_67, %dma_start3A_70] : memref<102400x64xf32, #tpu.memory_space<hbm>> -> memref<128x64xf32, #tpu.memory_space<hbm>>
      tpu.enqueue_dma source(%arg6 : memref<128x64xf32, #tpu.memory_space<vmem>>) target(%dma_start3A_71 : memref<128x64xf32, #tpu.memory_space<hbm>>) target_semaphore(%arg16 : memref<!tpu.dma_semaphore, #tpu.memory_space<semaphore_mem>>)
      %add3A_72 = arith.constant 1 : i32
      %add3A_73 = arith.addi %mul3A_48, %add3A_72 : i32
      %gt3A_74 = arith.constant 0 : i32
      %gt3A_75 = arith.cmpi sgt, %add3A_46, %gt3A_74 : i32
      %convert_element_type3A_76 = arith.extui %gt3A_75 : i1 to i32
      %cond3A_77 = arith.constant 0 : i32
      %cond3A_78 = arith.cmpi ne, %convert_element_type3A_76, %cond3A_77 : i32
      scf.if %cond3A_78 {
        %add3A_197 = arith.constant 3 : i32
        %add3A_198 = arith.addi %add3A_73, %add3A_197 : i32
        %sub3A_199 = arith.constant 5 : i32
        %sub3A_200 = arith.subi %add3A_198, %sub3A_199 : i32
        %mul3A_201 = arith.constant 128 : i32
        %mul3A_202 = arith.muli %sub3A_200, %mul3A_201 : i32
        %add3A_203 = arith.addi %mul3A_4, %mul3A_202 : i32
        %dma_wait3A_204 = arith.constant 0 : i32
        %dma_wait3A_205 = tpu.memref_slice %arg4[%add3A_203, %dma_wait3A_204] : memref<102400x64xf32, #tpu.memory_space<hbm>> -> memref<128x64xf32, #tpu.memory_space<hbm>>
        %dma_wait3A_206 = arith.constant 0 : i32
        %dma_wait3A_207 = tpu.memref_slice %arg4[%add3A_203, %dma_wait3A_206] : memref<102400x64xf32, #tpu.memory_space<hbm>> -> memref<128x64xf32, #tpu.memory_space<hbm>>
        tpu.wait_dma2 semaphore(%arg20 : memref<!tpu.dma_semaphore, #tpu.memory_space<semaphore_mem>>) src(%arg10 : memref<128x64xf32, #tpu.memory_space<vmem>>) dst(%dma_wait3A_207 : memref<128x64xf32, #tpu.memory_space<hbm>>)
      } else {
      }
      %add3A_79 = arith.constant 3 : i32
      %add3A_80 = arith.addi %add3A_73, %add3A_79 : i32
      %lt3A_81 = arith.constant 25 : i32
      %lt3A_82 = arith.cmpi slt, %add3A_80, %lt3A_81 : i32
      %convert_element_type3A_83 = arith.extui %lt3A_82 : i1 to i32
      %cond3A_84 = arith.constant 0 : i32
      %cond3A_85 = arith.cmpi ne, %convert_element_type3A_83, %cond3A_84 : i32
      scf.if %cond3A_85 {
        %add3A_197 = arith.constant 3 : i32
        %add3A_198 = arith.addi %add3A_73, %add3A_197 : i32
        %dma_start3A_199 = arith.constant 0 : i32
        %dma_start3A_200 = tpu.memref_slice %arg5[%add3A_198, %dma_start3A_199] : memref<25x128xi32, #tpu.memory_space<vmem>> -> memref<1x128xi32, #tpu.memory_space<vmem>>
        %dma_start3A_201 = tpu.memref_squeeze %dma_start3A_200 : memref<1x128xi32, #tpu.memory_space<vmem>> -> memref<128xi32, #tpu.memory_space<vmem>>
        %dma_start3A_202 = arith.constant 0 : i32
        %dma_start3A_203 = arith.constant 0 : i32
        %dma_start3A_204 = tpu.memref_slice %arg3[%dma_start3A_202, %dma_start3A_203] : memref<102400x64xf32, #tpu.memory_space<hbm>> -> memref<102400x64xf32, #tpu.memory_space<hbm>>
        tpu.enqueue_indirect_dma source(%dma_start3A_204 : memref<102400x64xf32, #tpu.memory_space<hbm>>) target(%arg10 : memref<128x64xf32, #tpu.memory_space<vmem>>) offsets(%dma_start3A_201 : memref<128xi32, #tpu.memory_space<vmem>>) semaphore(%arg15 : memref<!tpu.dma_semaphore, #tpu.memory_space<semaphore_mem>>)
      } else {
      }
      %dma_wait3A_86 = arith.constant 0 : i32
      %dma_wait3A_87 = tpu.memref_slice %arg5[%add3A_73, %dma_wait3A_86] : memref<25x128xi32, #tpu.memory_space<vmem>> -> memref<1x128xi32, #tpu.memory_space<vmem>>
      %dma_wait3A_88 = tpu.memref_squeeze %dma_wait3A_87 : memref<1x128xi32, #tpu.memory_space<vmem>> -> memref<128xi32, #tpu.memory_space<vmem>>
      %dma_wait3A_89 = arith.constant 0 : i32
      %dma_wait3A_90 = arith.constant 0 : i32
      %dma_wait3A_91 = tpu.memref_slice %arg3[%dma_wait3A_89, %dma_wait3A_90] : memref<102400x64xf32, #tpu.memory_space<hbm>> -> memref<102400x64xf32, #tpu.memory_space<hbm>>
      tpu.wait_indirect_dma semaphore(%arg12 : memref<!tpu.dma_semaphore, #tpu.memory_space<semaphore_mem>>) src(%dma_wait3A_91 : memref<102400x64xf32, #tpu.memory_space<hbm>>) dst(%arg7 : memref<128x64xf32, #tpu.memory_space<vmem>>)
      %mul3A_92 = arith.constant 128 : i32
      %mul3A_93 = arith.muli %add3A_73, %mul3A_92 : i32
      %add3A_94 = arith.addi %mul3A_4, %mul3A_93 : i32
      %dma_start3A_95 = arith.constant 0 : i32
      %dma_start3A_96 = tpu.memref_slice %arg4[%add3A_94, %dma_start3A_95] : memref<102400x64xf32, #tpu.memory_space<hbm>> -> memref<128x64xf32, #tpu.memory_space<hbm>>
      %dma_start3A_97 = arith.constant 0 : i32
      %dma_start3A_98 = tpu.memref_slice %arg4[%add3A_94, %dma_start3A_97] : memref<102400x64xf32, #tpu.memory_space<hbm>> -> memref<128x64xf32, #tpu.memory_space<hbm>>
      tpu.enqueue_dma source(%arg7 : memref<128x64xf32, #tpu.memory_space<vmem>>) target(%dma_start3A_98 : memref<128x64xf32, #tpu.memory_space<hbm>>) target_semaphore(%arg17 : memref<!tpu.dma_semaphore, #tpu.memory_space<semaphore_mem>>)
      %add3A_99 = arith.constant 2 : i32
      %add3A_100 = arith.addi %mul3A_48, %add3A_99 : i32
      %add3A_101 = arith.constant 3 : i32
      %add3A_102 = arith.addi %add3A_100, %add3A_101 : i32
      %sub3A = arith.constant 5 : i32
      %sub3A_103 = arith.subi %add3A_102, %sub3A : i32
      %mul3A_104 = arith.constant 128 : i32
      %mul3A_105 = arith.muli %sub3A_103, %mul3A_104 : i32
      %add3A_106 = arith.addi %mul3A_4, %mul3A_105 : i32
      %dma_wait3A_107 = arith.constant 0 : i32
      %dma_wait3A_108 = tpu.memref_slice %arg4[%add3A_106, %dma_wait3A_107] : memref<102400x64xf32, #tpu.memory_space<hbm>> -> memref<128x64xf32, #tpu.memory_space<hbm>>
      %dma_wait3A_109 = arith.constant 0 : i32
      %dma_wait3A_110 = tpu.memref_slice %arg4[%add3A_106, %dma_wait3A_109] : memref<102400x64xf32, #tpu.memory_space<hbm>> -> memref<128x64xf32, #tpu.memory_space<hbm>>
      tpu.wait_dma2 semaphore(%arg16 : memref<!tpu.dma_semaphore, #tpu.memory_space<semaphore_mem>>) src(%arg6 : memref<128x64xf32, #tpu.memory_space<vmem>>) dst(%dma_wait3A_110 : memref<128x64xf32, #tpu.memory_space<hbm>>)
      %add3A_111 = arith.constant 3 : i32
      %add3A_112 = arith.addi %add3A_100, %add3A_111 : i32
      %lt3A_113 = arith.constant 25 : i32
      %lt3A_114 = arith.cmpi slt, %add3A_112, %lt3A_113 : i32
      %convert_element_type3A_115 = arith.extui %lt3A_114 : i1 to i32
      %cond3A_116 = arith.constant 0 : i32
      %cond3A_117 = arith.cmpi ne, %convert_element_type3A_115, %cond3A_116 : i32
      scf.if %cond3A_117 {
        %add3A_197 = arith.constant 3 : i32
        %add3A_198 = arith.addi %add3A_100, %add3A_197 : i32
        %dma_start3A_199 = arith.constant 0 : i32
        %dma_start3A_200 = tpu.memref_slice %arg5[%add3A_198, %dma_start3A_199] : memref<25x128xi32, #tpu.memory_space<vmem>> -> memref<1x128xi32, #tpu.memory_space<vmem>>
        %dma_start3A_201 = tpu.memref_squeeze %dma_start3A_200 : memref<1x128xi32, #tpu.memory_space<vmem>> -> memref<128xi32, #tpu.memory_space<vmem>>
        %dma_start3A_202 = arith.constant 0 : i32
        %dma_start3A_203 = arith.constant 0 : i32
        %dma_start3A_204 = tpu.memref_slice %arg3[%dma_start3A_202, %dma_start3A_203] : memref<102400x64xf32, #tpu.memory_space<hbm>> -> memref<102400x64xf32, #tpu.memory_space<hbm>>
        tpu.enqueue_indirect_dma source(%dma_start3A_204 : memref<102400x64xf32, #tpu.memory_space<hbm>>) target(%arg6 : memref<128x64xf32, #tpu.memory_space<vmem>>) offsets(%dma_start3A_201 : memref<128xi32, #tpu.memory_space<vmem>>) semaphore(%arg11 : memref<!tpu.dma_semaphore, #tpu.memory_space<semaphore_mem>>)
      } else {
      }
      %dma_wait3A_118 = arith.constant 0 : i32
      %dma_wait3A_119 = tpu.memref_slice %arg5[%add3A_100, %dma_wait3A_118] : memref<25x128xi32, #tpu.memory_space<vmem>> -> memref<1x128xi32, #tpu.memory_space<vmem>>
      %dma_wait3A_120 = tpu.memref_squeeze %dma_wait3A_119 : memref<1x128xi32, #tpu.memory_space<vmem>> -> memref<128xi32, #tpu.memory_space<vmem>>
      %dma_wait3A_121 = arith.constant 0 : i32
      %dma_wait3A_122 = arith.constant 0 : i32
      %dma_wait3A_123 = tpu.memref_slice %arg3[%dma_wait3A_121, %dma_wait3A_122] : memref<102400x64xf32, #tpu.memory_space<hbm>> -> memref<102400x64xf32, #tpu.memory_space<hbm>>
      tpu.wait_indirect_dma semaphore(%arg13 : memref<!tpu.dma_semaphore, #tpu.memory_space<semaphore_mem>>) src(%dma_wait3A_123 : memref<102400x64xf32, #tpu.memory_space<hbm>>) dst(%arg8 : memref<128x64xf32, #tpu.memory_space<vmem>>)
      %mul3A_124 = arith.constant 128 : i32
      %mul3A_125 = arith.muli %add3A_100, %mul3A_124 : i32
      %add3A_126 = arith.addi %mul3A_4, %mul3A_125 : i32
      %dma_start3A_127 = arith.constant 0 : i32
      %dma_start3A_128 = tpu.memref_slice %arg4[%add3A_126, %dma_start3A_127] : memref<102400x64xf32, #tpu.memory_space<hbm>> -> memref<128x64xf32, #tpu.memory_space<hbm>>
      %dma_start3A_129 = arith.constant 0 : i32
      %dma_start3A_130 = tpu.memref_slice %arg4[%add3A_126, %dma_start3A_129] : memref<102400x64xf32, #tpu.memory_space<hbm>> -> memref<128x64xf32, #tpu.memory_space<hbm>>
      tpu.enqueue_dma source(%arg8 : memref<128x64xf32, #tpu.memory_space<vmem>>) target(%dma_start3A_130 : memref<128x64xf32, #tpu.memory_space<hbm>>) target_semaphore(%arg18 : memref<!tpu.dma_semaphore, #tpu.memory_space<semaphore_mem>>)
      %add3A_131 = arith.constant 3 : i32
      %add3A_132 = arith.addi %mul3A_48, %add3A_131 : i32
      %add3A_133 = arith.constant 3 : i32
      %add3A_134 = arith.addi %add3A_132, %add3A_133 : i32
      %sub3A_135 = arith.constant 5 : i32
      %sub3A_136 = arith.subi %add3A_134, %sub3A_135 : i32
      %mul3A_137 = arith.constant 128 : i32
      %mul3A_138 = arith.muli %sub3A_136, %mul3A_137 : i32
      %add3A_139 = arith.addi %mul3A_4, %mul3A_138 : i32
      %dma_wait3A_140 = arith.constant 0 : i32
      %dma_wait3A_141 = tpu.memref_slice %arg4[%add3A_139, %dma_wait3A_140] : memref<102400x64xf32, #tpu.memory_space<hbm>> -> memref<128x64xf32, #tpu.memory_space<hbm>>
      %dma_wait3A_142 = arith.constant 0 : i32
      %dma_wait3A_143 = tpu.memref_slice %arg4[%add3A_139, %dma_wait3A_142] : memref<102400x64xf32, #tpu.memory_space<hbm>> -> memref<128x64xf32, #tpu.memory_space<hbm>>
      tpu.wait_dma2 semaphore(%arg17 : memref<!tpu.dma_semaphore, #tpu.memory_space<semaphore_mem>>) src(%arg7 : memref<128x64xf32, #tpu.memory_space<vmem>>) dst(%dma_wait3A_143 : memref<128x64xf32, #tpu.memory_space<hbm>>)
      %add3A_144 = arith.constant 3 : i32
      %add3A_145 = arith.addi %add3A_132, %add3A_144 : i32
      %lt3A_146 = arith.constant 25 : i32
      %lt3A_147 = arith.cmpi slt, %add3A_145, %lt3A_146 : i32
      %convert_element_type3A_148 = arith.extui %lt3A_147 : i1 to i32
      %cond3A_149 = arith.constant 0 : i32
      %cond3A_150 = arith.cmpi ne, %convert_element_type3A_148, %cond3A_149 : i32
      scf.if %cond3A_150 {
        %add3A_197 = arith.constant 3 : i32
        %add3A_198 = arith.addi %add3A_132, %add3A_197 : i32
        %dma_start3A_199 = arith.constant 0 : i32
        %dma_start3A_200 = tpu.memref_slice %arg5[%add3A_198, %dma_start3A_199] : memref<25x128xi32, #tpu.memory_space<vmem>> -> memref<1x128xi32, #tpu.memory_space<vmem>>
        %dma_start3A_201 = tpu.memref_squeeze %dma_start3A_200 : memref<1x128xi32, #tpu.memory_space<vmem>> -> memref<128xi32, #tpu.memory_space<vmem>>
        %dma_start3A_202 = arith.constant 0 : i32
        %dma_start3A_203 = arith.constant 0 : i32
        %dma_start3A_204 = tpu.memref_slice %arg3[%dma_start3A_202, %dma_start3A_203] : memref<102400x64xf32, #tpu.memory_space<hbm>> -> memref<102400x64xf32, #tpu.memory_space<hbm>>
        tpu.enqueue_indirect_dma source(%dma_start3A_204 : memref<102400x64xf32, #tpu.memory_space<hbm>>) target(%arg7 : memref<128x64xf32, #tpu.memory_space<vmem>>) offsets(%dma_start3A_201 : memref<128xi32, #tpu.memory_space<vmem>>) semaphore(%arg12 : memref<!tpu.dma_semaphore, #tpu.memory_space<semaphore_mem>>)
      } else {
      }
      %dma_wait3A_151 = arith.constant 0 : i32
      %dma_wait3A_152 = tpu.memref_slice %arg5[%add3A_132, %dma_wait3A_151] : memref<25x128xi32, #tpu.memory_space<vmem>> -> memref<1x128xi32, #tpu.memory_space<vmem>>
      %dma_wait3A_153 = tpu.memref_squeeze %dma_wait3A_152 : memref<1x128xi32, #tpu.memory_space<vmem>> -> memref<128xi32, #tpu.memory_space<vmem>>
      %dma_wait3A_154 = arith.constant 0 : i32
      %dma_wait3A_155 = arith.constant 0 : i32
      %dma_wait3A_156 = tpu.memref_slice %arg3[%dma_wait3A_154, %dma_wait3A_155] : memref<102400x64xf32, #tpu.memory_space<hbm>> -> memref<102400x64xf32, #tpu.memory_space<hbm>>
      tpu.wait_indirect_dma semaphore(%arg14 : memref<!tpu.dma_semaphore, #tpu.memory_space<semaphore_mem>>) src(%dma_wait3A_156 : memref<102400x64xf32, #tpu.memory_space<hbm>>) dst(%arg9 : memref<128x64xf32, #tpu.memory_space<vmem>>)
      %mul3A_157 = arith.constant 128 : i32
      %mul3A_158 = arith.muli %add3A_132, %mul3A_157 : i32
      %add3A_159 = arith.addi %mul3A_4, %mul3A_158 : i32
      %dma_start3A_160 = arith.constant 0 : i32
      %dma_start3A_161 = tpu.memref_slice %arg4[%add3A_159, %dma_start3A_160] : memref<102400x64xf32, #tpu.memory_space<hbm>> -> memref<128x64xf32, #tpu.memory_space<hbm>>
      %dma_start3A_162 = arith.constant 0 : i32
      %dma_start3A_163 = tpu.memref_slice %arg4[%add3A_159, %dma_start3A_162] : memref<102400x64xf32, #tpu.memory_space<hbm>> -> memref<128x64xf32, #tpu.memory_space<hbm>>
      tpu.enqueue_dma source(%arg9 : memref<128x64xf32, #tpu.memory_space<vmem>>) target(%dma_start3A_163 : memref<128x64xf32, #tpu.memory_space<hbm>>) target_semaphore(%arg19 : memref<!tpu.dma_semaphore, #tpu.memory_space<semaphore_mem>>)
      %add3A_164 = arith.constant 4 : i32
      %add3A_165 = arith.addi %mul3A_48, %add3A_164 : i32
      %add3A_166 = arith.constant 3 : i32
      %add3A_167 = arith.addi %add3A_165, %add3A_166 : i32
      %sub3A_168 = arith.constant 5 : i32
      %sub3A_169 = arith.subi %add3A_167, %sub3A_168 : i32
      %mul3A_170 = arith.constant 128 : i32
      %mul3A_171 = arith.muli %sub3A_169, %mul3A_170 : i32
      %add3A_172 = arith.addi %mul3A_4, %mul3A_171 : i32
      %dma_wait3A_173 = arith.constant 0 : i32
      %dma_wait3A_174 = tpu.memref_slice %arg4[%add3A_172, %dma_wait3A_173] : memref<102400x64xf32, #tpu.memory_space<hbm>> -> memref<128x64xf32, #tpu.memory_space<hbm>>
      %dma_wait3A_175 = arith.constant 0 : i32
      %dma_wait3A_176 = tpu.memref_slice %arg4[%add3A_172, %dma_wait3A_175] : memref<102400x64xf32, #tpu.memory_space<hbm>> -> memref<128x64xf32, #tpu.memory_space<hbm>>
      tpu.wait_dma2 semaphore(%arg18 : memref<!tpu.dma_semaphore, #tpu.memory_space<semaphore_mem>>) src(%arg8 : memref<128x64xf32, #tpu.memory_space<vmem>>) dst(%dma_wait3A_176 : memref<128x64xf32, #tpu.memory_space<hbm>>)
      %add3A_177 = arith.constant 3 : i32
      %add3A_178 = arith.addi %add3A_165, %add3A_177 : i32
      %lt3A_179 = arith.constant 25 : i32
      %lt3A_180 = arith.cmpi slt, %add3A_178, %lt3A_179 : i32
      %convert_element_type3A_181 = arith.extui %lt3A_180 : i1 to i32
      %cond3A_182 = arith.constant 0 : i32
      %cond3A_183 = arith.cmpi ne, %convert_element_type3A_181, %cond3A_182 : i32
      scf.if %cond3A_183 {
        %add3A_197 = arith.constant 3 : i32
        %add3A_198 = arith.addi %add3A_165, %add3A_197 : i32
        %dma_start3A_199 = arith.constant 0 : i32
        %dma_start3A_200 = tpu.memref_slice %arg5[%add3A_198, %dma_start3A_199] : memref<25x128xi32, #tpu.memory_space<vmem>> -> memref<1x128xi32, #tpu.memory_space<vmem>>
        %dma_start3A_201 = tpu.memref_squeeze %dma_start3A_200 : memref<1x128xi32, #tpu.memory_space<vmem>> -> memref<128xi32, #tpu.memory_space<vmem>>
        %dma_start3A_202 = arith.constant 0 : i32
        %dma_start3A_203 = arith.constant 0 : i32
        %dma_start3A_204 = tpu.memref_slice %arg3[%dma_start3A_202, %dma_start3A_203] : memref<102400x64xf32, #tpu.memory_space<hbm>> -> memref<102400x64xf32, #tpu.memory_space<hbm>>
        tpu.enqueue_indirect_dma source(%dma_start3A_204 : memref<102400x64xf32, #tpu.memory_space<hbm>>) target(%arg8 : memref<128x64xf32, #tpu.memory_space<vmem>>) offsets(%dma_start3A_201 : memref<128xi32, #tpu.memory_space<vmem>>) semaphore(%arg13 : memref<!tpu.dma_semaphore, #tpu.memory_space<semaphore_mem>>)
      } else {
      }
      %dma_wait3A_184 = arith.constant 0 : i32
      %dma_wait3A_185 = tpu.memref_slice %arg5[%add3A_165, %dma_wait3A_184] : memref<25x128xi32, #tpu.memory_space<vmem>> -> memref<1x128xi32, #tpu.memory_space<vmem>>
      %dma_wait3A_186 = tpu.memref_squeeze %dma_wait3A_185 : memref<1x128xi32, #tpu.memory_space<vmem>> -> memref<128xi32, #tpu.memory_space<vmem>>
      %dma_wait3A_187 = arith.constant 0 : i32
      %dma_wait3A_188 = arith.constant 0 : i32
      %dma_wait3A_189 = tpu.memref_slice %arg3[%dma_wait3A_187, %dma_wait3A_188] : memref<102400x64xf32, #tpu.memory_space<hbm>> -> memref<102400x64xf32, #tpu.memory_space<hbm>>
      tpu.wait_indirect_dma semaphore(%arg15 : memref<!tpu.dma_semaphore, #tpu.memory_space<semaphore_mem>>) src(%dma_wait3A_189 : memref<102400x64xf32, #tpu.memory_space<hbm>>) dst(%arg10 : memref<128x64xf32, #tpu.memory_space<vmem>>)
      %mul3A_190 = arith.constant 128 : i32
      %mul3A_191 = arith.muli %add3A_165, %mul3A_190 : i32
      %add3A_192 = arith.addi %mul3A_4, %mul3A_191 : i32
      %dma_start3A_193 = arith.constant 0 : i32
      %dma_start3A_194 = tpu.memref_slice %arg4[%add3A_192, %dma_start3A_193] : memref<102400x64xf32, #tpu.memory_space<hbm>> -> memref<128x64xf32, #tpu.memory_space<hbm>>
      %dma_start3A_195 = arith.constant 0 : i32
      %dma_start3A_196 = tpu.memref_slice %arg4[%add3A_192, %dma_start3A_195] : memref<102400x64xf32, #tpu.memory_space<hbm>> -> memref<128x64xf32, #tpu.memory_space<hbm>>
      tpu.enqueue_dma source(%arg10 : memref<128x64xf32, #tpu.memory_space<vmem>>) target(%dma_start3A_196 : memref<128x64xf32, #tpu.memory_space<hbm>>) target_semaphore(%arg20 : memref<!tpu.dma_semaphore, #tpu.memory_space<semaphore_mem>>)
    }
    %scan3A_30 = arith.constant 5 : i32
    %add3A_31 = arith.constant 2944 : i32
    %add3A_32 = arith.addi %mul3A_4, %add3A_31 : i32
    %dma_wait3A = arith.constant 0 : i32
    %dma_wait3A_33 = tpu.memref_slice %arg4[%add3A_32, %dma_wait3A] : memref<102400x64xf32, #tpu.memory_space<hbm>> -> memref<128x64xf32, #tpu.memory_space<hbm>>
    %dma_wait3A_34 = arith.constant 0 : i32
    %dma_wait3A_35 = tpu.memref_slice %arg4[%add3A_32, %dma_wait3A_34] : memref<102400x64xf32, #tpu.memory_space<hbm>> -> memref<128x64xf32, #tpu.memory_space<hbm>>
    tpu.wait_dma2 semaphore(%arg19 : memref<!tpu.dma_semaphore, #tpu.memory_space<semaphore_mem>>) src(%arg9 : memref<128x64xf32, #tpu.memory_space<vmem>>) dst(%dma_wait3A_35 : memref<128x64xf32, #tpu.memory_space<hbm>>)
    %add3A_36 = arith.constant 3072 : i32
    %add3A_37 = arith.addi %mul3A_4, %add3A_36 : i32
    %dma_wait3A_38 = arith.constant 0 : i32
    %dma_wait3A_39 = tpu.memref_slice %arg4[%add3A_37, %dma_wait3A_38] : memref<102400x64xf32, #tpu.memory_space<hbm>> -> memref<128x64xf32, #tpu.memory_space<hbm>>
    %dma_wait3A_40 = arith.constant 0 : i32
    %dma_wait3A_41 = tpu.memref_slice %arg4[%add3A_37, %dma_wait3A_40] : memref<102400x64xf32, #tpu.memory_space<hbm>> -> memref<128x64xf32, #tpu.memory_space<hbm>>
    tpu.wait_dma2 semaphore(%arg20 : memref<!tpu.dma_semaphore, #tpu.memory_space<semaphore_mem>>) src(%arg10 : memref<128x64xf32, #tpu.memory_space<vmem>>) dst(%dma_wait3A_41 : memref<128x64xf32, #tpu.memory_space<hbm>>)
    return
  }
}

module attributes {stable_mosaic.version = 14 : i64} {
  func.func @_repack_body(%arg0: i32, %arg1: memref<64x102400xf32, #tpu.memory_space<vmem>>, %arg2: memref<3200x128xf32, #tpu.memory_space<vmem>>) attributes {dimension_semantics = [#tpu.dimension_semantics<arbitrary>], iteration_bounds = array<i64: 16>, scalar_prefetch = 0 : i64, scratch_operands = 0 : i64, tpu.core_type = #tpu.core_type<tc>, window_params = [{pipeline_mode = #tpu.pipeline_mode<synchronous>, transform_indices = @transform_0, window_bounds = array<i64: 64, 102400>}, {transform_indices = @transform_1, window_bounds = array<i64: 3200, 128>}]} {
    %mul3A = arith.constant 3200 : i32
    %mul3A_0 = arith.muli %arg0, %mul3A : i32
    %get3A = arith.constant 0 : index
    %get3A_1 = arith.index_cast %mul3A_0 : i32 to index
    %get3A_2 = vector.load %arg1[%get3A, %get3A_1] : memref<64x102400xf32, #tpu.memory_space<vmem>>, vector<64x3200xf32>
    %transpose3A = tpu.transpose %get3A_2, [1, 0] : vector<64x3200xf32> -> vector<3200x64xf32>
    %swap3A = arith.constant 0 : index
    %swap3A_3 = arith.constant 0 : index
    %swap3A_4 = vector.load %arg2[%swap3A, %swap3A_3] : memref<3200x128xf32, #tpu.memory_space<vmem>>, vector<3200x64xf32>
    tpu.vector_store %arg2[%swap3A, %swap3A_3], %transpose3A {strides = array<i32>} : memref<3200x128xf32, #tpu.memory_space<vmem>>, vector<3200x64xf32>,
    %mul3A_5 = arith.constant 3200 : i32
    %mul3A_6 = arith.muli %arg0, %mul3A_5 : i32
    %add3A = arith.constant 51200 : i32
    %add3A_7 = arith.addi %add3A, %mul3A_6 : i32
    %get3A_8 = arith.constant 0 : index
    %get3A_9 = arith.index_cast %add3A_7 : i32 to index
    %get3A_10 = vector.load %arg1[%get3A_8, %get3A_9] : memref<64x102400xf32, #tpu.memory_space<vmem>>, vector<64x3200xf32>
    %transpose3A_11 = tpu.transpose %get3A_10, [1, 0] : vector<64x3200xf32> -> vector<3200x64xf32>
    %swap3A_12 = arith.constant 0 : index
    %swap3A_13 = arith.constant 64 : index
    %swap3A_14 = vector.load %arg2[%swap3A_12, %swap3A_13] : memref<3200x128xf32, #tpu.memory_space<vmem>>, vector<3200x64xf32>
    tpu.vector_store %arg2[%swap3A_12, %swap3A_13], %transpose3A_11 {strides = array<i32>} : memref<3200x128xf32, #tpu.memory_space<vmem>>, vector<3200x64xf32>,
    return
  }
  func.func @transform_0(%arg0: i32) -> (i32, i32) {
    %c0_i32 = arith.constant 0 : i32
    %c0_i32_0 = arith.constant 0 : i32
    %c0_i32_1 = arith.constant 0 : i32
    return %c0_i32, %c0_i32_0 : i32, i32
  }
  func.func @transform_1(%arg0: i32) -> (i32, i32) {
    %c0_i32 = arith.constant 0 : i32
    %c0_i32_0 = arith.constant 0 : i32
    return %arg0, %c0_i32 : i32, i32
  }
}

module attributes {stable_mosaic.version = 14 : i64} {
  func.func @_format_body(%arg0: i32, %arg1: memref<12800x128xf32, #tpu.memory_space<vmem>>, %arg2: memref<50x64x512xf32, #tpu.memory_space<vmem>>) attributes {dimension_semantics = [#tpu.dimension_semantics<arbitrary>], iteration_bounds = array<i64: 4>, scalar_prefetch = 0 : i64, scratch_operands = 0 : i64, tpu.core_type = #tpu.core_type<tc>, window_params = [{transform_indices = @transform_0, window_bounds = array<i64: 12800, 128>}, {transform_indices = @transform_1, window_bounds = array<i64: 50, 64, 512>}]} {
    %get3A = arith.constant 0 : index
    %get3A_0 = arith.constant 0 : index
    %get3A_1 = vector.load %arg1[%get3A, %get3A_0] : memref<12800x128xf32, #tpu.memory_space<vmem>>, vector<12800x128xf32>
    %reshape3A = vector.shape_cast %get3A_1 : vector<12800x128xf32> to vector<512x3200xf32>
    %transpose3A = tpu.transpose %reshape3A, [1, 0] : vector<512x3200xf32> -> vector<3200x512xf32>
    %reshape3A_2 = vector.shape_cast %transpose3A : vector<3200x512xf32> to vector<50x64x512xf32>
    %swap3A = arith.constant 0 : index
    %swap3A_3 = arith.constant 0 : index
    %swap3A_4 = arith.constant 0 : index
    %swap3A_5 = vector.load %arg2[%swap3A, %swap3A_3, %swap3A_4] : memref<50x64x512xf32, #tpu.memory_space<vmem>>, vector<50x64x512xf32>
    tpu.vector_store %arg2[%swap3A, %swap3A_3, %swap3A_4], %reshape3A_2 {strides = array<i32>} : memref<50x64x512xf32, #tpu.memory_space<vmem>>, vector<50x64x512xf32>,
    return
  }
  func.func @transform_0(%arg0: i32) -> (i32, i32) {
    %c0_i32 = arith.constant 0 : i32
    %c0_i32_0 = arith.constant 0 : i32
    return %arg0, %c0_i32 : i32, i32
  }
  func.func @transform_1(%arg0: i32) -> (i32, i32, i32) {
    %c0_i32 = arith.constant 0 : i32
    %c0_i32_0 = arith.constant 0 : i32
    %c0_i32_1 = arith.constant 0 : i32
    return %c0_i32, %c0_i32_0, %arg0 : i32, i32, i32
  }
}

module attributes {stable_mosaic.version = 14 : i64} {
  func.func @_format_body_alias(%arg0: i32, %arg1: memref<50x64x4096xf32, #tpu.memory_space<any>>, %arg2: memref<12800x128xf32, #tpu.memory_space<vmem>>, %arg3: memref<50x64x512xf32, #tpu.memory_space<vmem>>) attributes {dimension_semantics = [#tpu.dimension_semantics<arbitrary>], iteration_bounds = array<i64: 4>, scalar_prefetch = 0 : i64, scratch_operands = 0 : i64, tpu.core_type = #tpu.core_type<tc>, window_params = [{}, {transform_indices = @transform_1, window_bounds = array<i64: 12800, 128>}, {transform_indices = @transform_2, window_bounds = array<i64: 50, 64, 512>}]} {
    %get3A = arith.constant 0 : index
    %get3A_0 = arith.constant 0 : index
    %get3A_1 = vector.load %arg2[%get3A, %get3A_0] : memref<12800x128xf32, #tpu.memory_space<vmem>>, vector<12800x128xf32>
    %reshape3A = vector.shape_cast %get3A_1 : vector<12800x128xf32> to vector<512x3200xf32>
    %transpose3A = tpu.transpose %reshape3A, [1, 0] : vector<512x3200xf32> -> vector<3200x512xf32>
    %reshape3A_2 = vector.shape_cast %transpose3A : vector<3200x512xf32> to vector<50x64x512xf32>
    %swap3A = arith.constant 0 : index
    %swap3A_3 = arith.constant 0 : index
    %swap3A_4 = arith.constant 0 : index
    %swap3A_5 = vector.load %arg3[%swap3A, %swap3A_3, %swap3A_4] : memref<50x64x512xf32, #tpu.memory_space<vmem>>, vector<50x64x512xf32>
    tpu.vector_store %arg3[%swap3A, %swap3A_3, %swap3A_4], %reshape3A_2 {strides = array<i32>} : memref<50x64x512xf32, #tpu.memory_space<vmem>>, vector<50x64x512xf32>,
    return
  }
  func.func @transform_1(%arg0: i32) -> (i32, i32) {
    %c0_i32 = arith.constant 0 : i32
    %c0_i32_0 = arith.constant 0 : i32
    return %arg0, %c0_i32 : i32, i32
  }
  func.func @transform_2(%arg0: i32) -> (i32, i32, i32) {
    %add3A = arith.constant 4 : i32
    %add3A_0 = arith.addi %arg0, %add3A : i32
    %c0_i32 = arith.constant 0 : i32
    %c0_i32_1 = arith.constant 0 : i32
    %c0_i32_2 = arith.constant 0 : i32
    return %c0_i32, %c0_i32_1, %add3A_0 : i32, i32, i32
  }
}

</mosaic_0001>

<sc_bundles>
// kernel: kernel.10.cloned.1.call-start
scs
__scs_entry_jumppad:
0x0: {  	(pc) =	sbr.rel $0x88, $3  }
0x1: {  	(tag) =	ssettag $0x0;
	lr =	simm.s32 $0x1  }
0x2: {  	[smem:$0x3F9F] =	sst lr;
	_ =	strace $0xD0000000  }
0x3: {  	_ = 	snop  }
0x4: {  	_ = 	snop  }
0x5: {  	_ = 	snop  }
0x6: {  	_ = 	snop  }
0x7: {  	_ = 	snop  }
__scs_overlays_trampoline_lowered:
0x8: {  	[smem:$0x3FAE] =	sst s0  }
0x9: {  	[smem:$0x3FAF] =	sst s1  }
0xa: {  	[smem:$0x3FB0] =	sst s2  }
0xb: {  	[smem:$0x3FB1] =	sst s3  }
0xc: {  	[smem:$0x3FB2] =	sst s4  }
0xd: {  	[smem:$0x3FB3] =	sst s5  }
0xe: {  	[smem:$0x3FB4] =	sst s6  }
0xf: {  	[smem:$0x3FB5] =	sst s7  }
0x10: {  	[smem:$0x3FB6] =	sst s8  }
0x11: {  	[smem:$0x3FB7] =	sst s9;
	s0 =	simm.s32 @!p0 $0x0  }
0x12: {  	s1 =	sld [smem:$0x3F9D];
	s0 =	simm.s32 @p0 $0x1  }
0x13: {  	[smem:$0x3FB8] =	sst s0;
	s0 =	simm.s32 @!p1 $0x0  }
0x14: {  	s2 =	sld [smem:$0x3F9C];
	s0 =	simm.s32 @p1 $0x1  }
0x15: {  	[smem:$0x3FB9] =	sst s0;
	s0 =	simm.s32 @!p2 $0x0  }
0x16: {  	s3 =	sld [smem:$0x3FDB];
	s0 =	simm.s32 @p2 $0x1  }
0x17: {  	s4 =	simm.s32 $0x1BF5;
	[smem:$0x3FBB] =	sst s0  }
0x18: {  	s0 =	sld [smem:$0x3F9E];
	_ =	swait.ge [sflag:s4], $0x0  }
0x19: {  	s7 =	sld [smem:$0x3F9F]  }
0x1a: {  	s8 =	sadd.s32 $0xFFFFE003, lr  }
0x1b: {  	s9 =	sadd.s32 $0xFFFFFEF7, lr;
	s5 =	simm.s32 $0xFFFFFFFF;
	p2 =	slt.u32 s8, $0xFFFFF086  }
0x1c: {  	p1 =	slt.u32 s9, $0xF7A;
	s5 =	simm.s32 @!p2 $0x0  }
0x1d: {  	s5 =	simm.s32 @p1 $0x1;
	p0 =	seq.s32 s7, s2  }
0x1e: {  	s7 =	smul.u32 @!p0 $0xF7A, s2;
	p2 =	seq.s32 @!p0 s5, $0x0  }
0x1f: {  	s9 =	smul.u32 $0xF7A, s1;
	s8 =	simm.s32 @!p0 $0x1BF5;
	p2 =	por !p2, p0  }
0x20: {  	[sflag:s8] =	ssyncset.s32 @!p0 $0xFFFFF086;
	s6 =	sadd.s32 @!p0 s3, s7;
	s7 =	simm.s32 @!p0 $0x108  }
0x21: {  	s3 =	sadd.s32 s3, s9;
	s6 =	sadd.s32 @!p0 $0x88, s6;
	s7 =	simm.s32 @p2 $0x1082  }
0x22: {  	[simem:s7], [sflag:s8] =	dma.local @!p0 [hbm:s6], $0xF7A  }
0x23: {  	s9 =	sor.u32 $0xD0000000, s2;
	s6 =	simm.s32 $0x108;
	_ =	swait.ge @!p0 [sflag:s8], $0x0  }
0x24: {  	s3 =	sadd.s32 $0x88, s3;
	s6 =	simm.s32 @!p1 $0x1082;
	[sflag:s4] =	ssyncset.s32 $0xFFFFF086  }
0x25: {  	[simem:s6], [sflag:s4] =	dma.local [hbm:s3], $0xF7A  }
0x26: {  	[smem:$0x3F9F] =	sst s1;
	(tag) =	ssettag s2;
	_ =	strace s9  }
0x27: {  	s1 =	sld [smem:$0x3FAF]  }
0x28: {  	s2 =	sld [smem:$0x3FB0]  }
0x29: {  	s4 =	sld [smem:$0x3FB2]  }
0x2a: {  	p0 =	seq.s32 s5, $0x0;
	s5 =	sld [smem:$0x3FB3]  }
0x2b: {  	s6 =	sld [smem:$0x3FB4]  }
0x2c: {  	s7 =	sld [smem:$0x3FB5]  }
0x2d: {  	s3 =	simm.s32 $0x108;
	s8 =	sld [smem:$0x3FB6]  }
0x2e: {  	s3 =	simm.s32 @!p0 $0x1082;
	s9 =	sld [smem:$0x3FB7]  }
0x2f: {  	lr =	sadd.s32 s0, s3;
	s0 =	sld [smem:$0x3FAE]  }
0x30: {  	s3 =	sld [smem:$0x3FB1]  }
0x31: {  	[smem:$0x3FBA] =	sst s10  }
0x32: {  	s10 =	sld [smem:$0x3FB8];
	_ =	sdelay $0x3  }
0x33: {  	p0 =	seq.s32 s10, $0x1;
	s10 =	sld [smem:$0x3FBA];
	_ =	sdelay $0x3  }
0x34: {  	[smem:$0x3FBA] =	sst s10  }
0x35: {  	s10 =	sld [smem:$0x3FB9];
	_ =	sdelay $0x3  }
0x36: {  	p1 =	seq.s32 s10, $0x1;
	s10 =	sld [smem:$0x3FBA];
	_ =	sdelay $0x3  }
0x37: {  	[smem:$0x3FBA] =	sst s10  }
0x38: {  	s10 =	sld [smem:$0x3FBB]  }
0x39: {  	_ = 	snop;
	(pc) =	sbr.ind lr, $3  }
0x3a: {  	_ = 	snop  }
0x3b: {  	_ = 	snop  }
0x3c: {  	p2 =	seq.s32 s10, $0x1;
	s10 =	sld [smem:$0x3FBA]  }
0x3d: {  	_ =	shalt  }
0x3e: {  	_ =	shalt  }
0x3f: {  	_ =	shalt  }
0x40: {  	_ =	shalt  }
0x41: {  	_ =	shalt  }
0x42: {  	_ =	shalt  }
0x43: {  	_ =	shalt  }
0x44: {  	_ =	shalt  }
0x45: {  	_ =	shalt  }
0x46: {  	_ =	shalt  }
0x47: {  	_ =	shalt  }
0x48: {  	_ =	shalt  }
0x49: {  	_ =	shalt  }
0x4a: {  	_ =	shalt  }
0x4b: {  	_ =	shalt  }
0x4c: {  	_ =	shalt  }
0x4d: {  	_ =	shalt  }
0x4e: {  	_ =	shalt  }
0x4f: {  	_ =	shalt  }
0x50: {  	_ =	shalt  }
0x51: {  	_ =	shalt  }
0x52: {  	_ =	shalt  }
0x53: {  	_ =	shalt  }
0x54: {  	_ =	shalt  }
0x55: {  	_ =	shalt  }
0x56: {  	_ =	shalt  }
0x57: {  	_ =	shalt  }
0x58: {  	_ =	shalt  }
0x59: {  	_ =	shalt  }
0x5a: {  	_ =	shalt  }
0x5b: {  	_ =	shalt  }
0x5c: {  	_ =	shalt  }
0x5d: {  	_ =	shalt  }
0x5e: {  	_ =	shalt  }
0x5f: {  	_ =	shalt  }
0x60: {  	_ =	shalt  }
0x61: {  	_ =	shalt  }
0x62: {  	_ =	shalt  }
0x63: {  	_ =	shalt  }
0x64: {  	_ =	shalt  }
0x65: {  	_ =	shalt  }
0x66: {  	_ =	shalt  }
0x67: {  	_ =	shalt  }
0x68: {  	_ =	shalt  }
0x69: {  	_ =	shalt  }
0x6a: {  	_ =	shalt  }
0x6b: {  	_ =	shalt  }
0x6c: {  	_ =	shalt  }
0x6d: {  	_ =	shalt  }
0x6e: {  	_ =	shalt  }
0x6f: {  	_ =	shalt  }
0x70: {  	_ =	shalt  }
0x71: {  	_ =	shalt  }
0x72: {  	_ =	shalt  }
0x73: {  	_ =	shalt  }
0x74: {  	_ =	shalt  }
0x75: {  	_ =	shalt  }
0x76: {  	_ =	shalt  }
0x77: {  	_ =	shalt  }
0x78: {  	_ =	shalt  }
0x79: {  	_ =	shalt  }
0x7a: {  	_ =	shalt  }
0x7b: {  	_ =	shalt  }
0x7c: {  	_ =	shalt  }
0x7d: {  	_ =	shalt  }
0x7e: {  	_ =	shalt  }
0x7f: {  	_ =	shalt  }
0x80: {  	_ =	shalt  }
0x81: {  	_ =	shalt  }
0x82: {  	_ =	shalt  }
0x83: {  	_ =	shalt  }
0x84: {  	_ =	shalt  }
0x85: {  	_ =	shalt  }
0x86: {  	_ =	shalt  }
0x87: {  	_ =	shalt  }
.Lfunc_end0:
.L_simem_size_0:
called_computation.1_lowered:
.L_overlay_start_0:
0x88: {  	s2 =	sld [smem:$0x3FD9]  }
0x89: {  	s3 =	sld [smem:$0x3FFE];
	_ =	sdelay $0x1  }
0x8a: {  	s1 =	srdreg.scid  }
0x8b: {  	s0 =	sand.u32 $0x1, s1  }
0x8c: {  	s17 =	sshll.u32 s0, $0xA;
	s2 =	sadd.s32 s3, s2  }
0x8d: {  	s2 =	sadd.s32 s2, s17  }
0x8e: {  	[smem:$0x3FC6] =	sst s2  }
0x8f: {  	_ = 	snop  }
0x90: {  	(tm) =	ssettm $0x1  }
0x91: {  	s18 =	sld [smem:$0x3FFB];
	_ =	sdelay $0x3  }
0x92: {  	_ =	strace s18  }
0x93: {  	s2 =	sld [smem:$0x3FFC];
	_ =	sdelay $0x3  }
0x94: {  	_ =	strace s2  }
0x95: {  	s2 =	sld [smem:$0x3FFD];
	_ =	sdelay $0x3  }
0x96: {  	_ =	strace s2  }
0x97: {  	_ =	strace $0x8FFFFFFF  }
0x98: {  	s19 =	sld [smem:$0x3FDB];
	_ =	sdelay $0x1  }
0x99: {  	s20 =	simm.s32 $_scs_section_size  }
0x9a: {  	s4 =	simm.s32 $_size__tile_overlayer_lowered;
	s5 =	simm.s32 $_tile_overlayer_lowered  }
0x9b: {  	s6 =	simm.s32 $0x1BFF;
	s21 =	sshll.u32 s5, $0x1;
	s3 =	sadd.s32 s20, s19  }
0x9c: {  	s22 =	simm.s32 $0x0;
	s4 =	sshll.u32 s4, $0x1;
	s5 =	sadd.s32 s21, s3  }
0x9d: {  	[timem:s22], [sflag:s6] =	dma.local [hbm:s5], s4  }
0x9e: {  	_ =	swait.ge [sflag:s6], s4  }
0x9f: {  	s4 =	ssub.s32 $0x0, s4;
	[sflag:s6] =	ssyncset.done $0x0  }
0xa0: {  	[sflag:s6] =	ssyncadd.s32 s4;
	_ =	sdelay $0x1  }
0xa1: {  	s23 =	simm.s32 $0x1B8B  }
0xa2: {  	_ =	swait.ge [sflag:s23], $0x1  }
0xa3: {  	[sflag:s23] =	ssyncset.done $0x0  }
0xa4: {  	[sflag:s23] =	ssyncadd.s32 $0xFFFFFFFF  }
0xa5: {  	s4 =	sld [smem:$0x0]  }
0xa6: {  	s5 =	sand.u32 $0xFFFFFFFE, s1  }
0xa7: {  	p0 =	sne.s32 s1, s5  }
0xa8: {  	s5 =	sshll.u32 @p0 s5, $0xE  }
0xa9: {  	s5 =	sadd.s32 @p0 $0x11B8D, s5;
	s6 =	sshll.u32 @p0 s4, $0x11  }
0xaa: {  	s5 =	sor.u32 @p0 s6, s5  }
0xab: {  	[sflag:s5] =	ssyncadd.remote.s32 @p0 $0x1;
	_ =	sdelay $0x1  }
0xac: {  	s5 =	simm.s32 @p0 $0x1B8D  }
0xad: {  	_ =	swait.eq @p0 [sflag:s5], $0x1  }
0xae: {  	[sflag:s5] =	ssyncadd.s32 @p0 $0xFFFFFFFF  }
0xaf: {  	s6 =	sshll.u32 @!p0 s1, $0xE  }
0xb0: {  	s6 =	sor.u32 @!p0 $0x4000, s6;
	s5 =	simm.s32 @!p0 $0x1B8D  }
0xb1: {  	s4 =	sshll.u32 @!p0 s4, $0x11;
	s6 =	sadd.s32 @!p0 $0x11B8D, s6;
	_ =	swait.eq @!p0 [sflag:s5], $0x1  }
0xb2: {  	s4 =	sor.u32 @!p0 s4, s6;
	[sflag:s5] =	ssyncadd.s32 @!p0 $0xFFFFFFFF  }
0xb3: {  	s25 =	simm.s32 $0x1B8E;
	s24 =	sld [smem:$0x3FFE];
	[sflag:s4] =	ssyncadd.remote.s32 @!p0 $0x1  }
0xb4: {  	s26 =	simm.s32 $execute0_lowered;
	[smem:$0x3FD2] =	sst s25  }
0xb5: {  	s5 =	sshll.u32 s26, $0x1;
	_ =	strace $0x80000049;
	[dreg:$0x1] =	wrdreg $0xFFFFFFFF  }
0xb6: {  	s28 =	simm.s32 $_size_execute0_lowered;
	s3 =	sadd.s32 s3, s5;
	[dreg:$0x0] =	wrdreg $0x0  }
0xb7: {  	s5 =	sshll.u32 s28, $0x1;
	[dreg:$0x2] =	wrdreg s3  }
0xb8: {  	[dreg:$0x3] =	wrdreg s5  }
0xb9: {  	[dreg:$0x4] =	wrdreg $0xC0  }
0xba: {  	_ =	task [dreg:s22], $0x5FFFF  }
0xbb: {  	[dreg:$0x1] =	wrdreg $0xFFFFFFFF  }
0xbc: {  	[dreg:$0x0] =	wrdreg $0x60  }
0xbd: {  	[dreg:$0x2] =	wrdreg s24  }
0xbe: {  	[dreg:$0x3] =	wrdreg $0xA  }
0xbf: {  	_ =	task.clear_ibuf [dreg:s22], $0x4FFFF;
	_ =	strace $0x90000049  }
0xc0: {  	s29 =	simm.s32 $0xA;
	_ =	strace $0x8000004B  }
0xc1: {  	_ =	swait.ge [sflag:s29], $0x1  }
0xc2: {  	[sflag:s29] =	ssyncadd.s32 $0xFFFFFFFF  }
0xc3: {  	_ =	strace $0x9000004B  }
0xc4: {  	_ =	sfence  }
0xc5: {  	s30 =	sld [smem:$0x0];
	_ =	sdelay $0x2  }
0xc6: {  	s31 =	sshll.u32 s1, $0xD;
	s1 =	sshrl.u32 s1, $0x2  }
0xc7: {  	s4 =	sand.u32 $0x4000, s31;
	s1 =	sadd.s32 s1, s30  }
0xc8: {  	s0 =	sor.u32 s4, s0;
	s1 =	sshll.u32 s1, $0x11  }
0xc9: {  	s0 =	sor.u32 s1, s0  }
0xca: {  	s0 =	sadd.s32 $0x8F2B, s0  }
0xcb: {  	[sflag:s0] =	ssyncadd.remote.s32 $0x1  }
0xcc: {  	_ =	sfence.sel $0xFFFF  }
0xcd: {  	[dreg:$0x0] =	wrdreg $0xFFFFFFFF;
	(pc) =	sbr.abs _section_cstart, $3  }
0xce: {  	[dreg:$0x1] =	wrdreg $0xFFFFFFFF  }
0xcf: {  	_ =	task.clear_ibuf [dreg:s22], $0x2FFFF;
	_ =	strace $0x9FFFFFFF  }
0xd0: {  	(tm) =	ssettm $0x7FFFFFFF  }
0xd1: {  	_ =	shalt  }
tec
execute0_lowered:
.L_overlay_start_1:
0x0: {  	(tag) =	ssettag $0x1  }
0x1: {  	s0 =	srdreg.scid  }
0x2: {  	s9 =	stileid.u32;
	s4 =	rddreg [dreg:$0x0];
	s2 =	simm.s32 $0x0  }
0x3: {  	s12 =	simm.s32 $0x80;
	s13 =	simm.s32 $0xC80;
	s14 =	simm.s32 $0x2C80  }
0x4: {  	s16 =	simm.s32 $0x4C80;
	s17 =	simm.s32 $0x6C80;
	s5 =	smul.u32 $0x1900, s9  }
0x5: {  	s18 =	simm.s32 $0x1;
	s19 =	simm.s32 $0x8C80;
	s21 =	smul.u32 $0x64000, s9  }
0x6: {  	s0 =	sand.u32 $0x1, s0;
	s1 =	sshll.u32 s9, $0x1;
	s9 =	smul.u32 $0xC800, s9  }
0x7: {  	s30 =	simm.s32 $0x0;
	[smem:$0x7FF] =	sst s2;
	s6 =	smul.u32 $0xC80, s0  }
0x8: {  	s3 =	sadd.s32 $0x3A00, s4;
	s1 =	sor.u32 s0, s1;
	s23 =	smul.u32 $0x32000, s0  }
0x9: {  	_ =	strace $0x8000004A;
	s7 =	ssub.s32 $0x2, s0;
	s0 =	smul.u32 $0x6400, s0  }
0xa: {  	s1 =	smul.u32 $0x190, s1;
	s8 =	sshrl.u32 s7, $0x1;
	s5 =	sadd.s32 s6, s5  }
0xb: {  	s20 =	ssub.s32 s7, s8;
	s25 =	sadd.s32 s23, s21;
	s21 =	simm.s32 $0x6  }
0xc: {  	s23 =	simm.s32 $0x7;
	s1 =	sadd.s32 s1, s4;
	s4 =	sadd.s32 $0x196C00, s4  }
0xd: {  	s5 =	sshll.u32 s5, $0x3;
	s6 =	smax.u32 s20, $0x1;
	s29 =	sadd.s32 $0x8000, s25  }
0xe: {  	s20 =	simm.s32 $0x2;
	s1 =	sadd.s32 $0x193A00, s1;
	s22 =	sadd.s32 s4, s5  }
0xf: {  	[dreg:$0x3] =	wrdreg s6;
	s26 =	sadd.s32 s9, s4;
	s31 =	sshrl.u32 s29, $0x3  }
0x10: {  	[dreg:$0x2] =	wrdreg s1;
	s24 =	sadd.s32 $0x800, s22;
	s1 =	sadd.s32 $0x400, s22  }
0x11: {  	s0 =	sadd.s32 s0, s26;
	s28 =	sadd.s32 s31, s4;
	[dreg:$0x4] =	wrdreg s24  }
0x12: {  	s22 =	simm.s32 $0x3;
	[dreg:$0x5] =	wrdreg s1;
	s1 =	sadd.s32 $0x6000, s25  }
0x13: {  	s26 =	simm.s32 $0x5;
	[dreg:$0x6] =	wrdreg s0;
	s1 =	sshrl.u32 s1, $0x3  }
0x14: {  	s24 =	simm.s32 $0x4;
	s25 =	simm.s32 $0x8;
	s10 =	sadd.s32 s1, s4  }
.LBB2_1:
0x15: {  	s0 =	rddreg [dreg:$0x2];
	s9 =	simm.s32 $0xB  }
0x16: {  	[tilespmem:s2], [sflag:$0xB] =	stream.linear.gather [hbm4b:s0+s2], $0xC80, $0x38;
	[tilespmem:$0xAC80] =	vst v63  }
0x17: {  	_ =	swait.ge [sflag:s9], $0xC80  }
0x18: {  	[sflag:s9] =	ssyncset.done $0x0  }
0x19: {  	[sflag:s9] =	ssyncadd.s32 $0xFFFFF380  }
0x1a: {  	[tilespmem:s13], [sflag:$0x1] =	stream.indirect.gather [hbm4b:s3+s12], $0x40, s2, s12, $0xb8;
	[tilespmem:$0xAC80] =	vst v63  }
0x1b: {  	p0 =	por $0x1, $0x1  }
0x1c: {  	[tilespmem:s14], [sflag:$0x2] =	stream.indirect.gather [hbm4b:s3+s12], $0x40, s12, s12, $0xb8;
	[tilespmem:$0xAC80] =	vst v63  }
0x1d: {  	s11 =	simm.s32 $0x100;
	s0 =	simm.s32 @!p0 $0x9  }
0x1e: {  	[tilespmem:s16], [sflag:$0x3] =	stream.indirect.gather [hbm4b:s3+s12], $0x40, s11, s12, $0xb8;
	[tilespmem:$0xAC80] =	vst v63  }
0x1f: {  	_ =	swait.ge @!p0 [sflag:s0], $0x2000  }
0x20: {  	[sflag:s0] =	ssyncset.done @!p0 $0x0  }
0x21: {  	s15 =	simm.s32 $0x180;
	[sflag:s0] =	ssyncadd.s32 @!p0 $0xFFFFE000  }
0x22: {  	[tilespmem:s17], [sflag:$0x4] =	stream.indirect.gather [hbm4b:s3+s12], $0x40, s15, s12, $0xb8;
	[tilespmem:$0xAC80] =	vst v63  }
0x23: {  	_ =	swait.ge [sflag:s18], $0x2000  }
0x24: {  	[sflag:s18] =	ssyncset.done $0x0  }
0x25: {  	s0 =	simm.s32 @!p0 $0xA;
	s8 =	rddreg [dreg:$0x6];
	[sflag:s18] =	ssyncadd.s32 $0xFFFFE000  }
0x26: {  	[hbm4b:s8+s2] =	stream.linear.scatter [tilespmem:s13], [sflag:$0x6], $0x2000, $0x38;
	[tilespmem:$0xAC80] =	vst v63  }
0x27: {  	_ =	swait.ge @!p0 [sflag:s0], $0x2000  }
0x28: {  	[sflag:s0] =	ssyncset.done @!p0 $0x0  }
0x29: {  	s29 =	simm.s32 $0x200;
	[sflag:s0] =	ssyncadd.s32 @!p0 $0xFFFFE000  }
0x2a: {  	[tilespmem:s19], [sflag:$0x5] =	stream.indirect.gather [hbm4b:s3+s12], $0x40, s29, s12, $0xb8;
	[tilespmem:$0xAC80] =	vst v63  }
0x2b: {  	_ =	swait.ge [sflag:s20], $0x2000  }
0x2c: {  	[sflag:s20] =	ssyncset.done $0x0  }
0x2d: {  	s7 =	rddreg [dreg:$0x5];
	[sflag:s20] =	ssyncadd.s32 $0xFFFFE000  }
0x2e: {  	[hbm4b:s7+s2] =	stream.linear.scatter [tilespmem:s14], [sflag:$0x7], $0x2000, $0x38;
	[tilespmem:$0xAC80] =	vst v63  }
0x2f: {  	p0 =	por $0x0, $0x0;
	_ =	swait.ge [sflag:s21], $0x2000  }
0x30: {  	s0 =	simm.s32 @!p0 $0xC80;
	[sflag:s21] =	ssyncset.done $0x0  }
0x31: {  	s1 =	simm.s32 @!p0 $0x280;
	s4 =	simm.s32 @!p0 $0x80;
	[sflag:s21] =	ssyncadd.s32 $0xFFFFE000  }
0x32: {  	[tilespmem:s0], [sflag:$0x1] =	stream.indirect.gather @!p0 [hbm4b:s3+s4], $0x40, s1, s4, $0xb8;
	[tilespmem:$0xAC80] =	vst v63  }
0x33: {  	_ =	swait.ge [sflag:s22], $0x2000  }
0x34: {  	[sflag:s22] =	ssyncset.done $0x0  }
0x35: {  	s6 =	rddreg [dreg:$0x4];
	[sflag:s22] =	ssyncadd.s32 $0xFFFFE000  }
0x36: {  	[hbm4b:s6+s2] =	stream.linear.scatter [tilespmem:s16], [sflag:$0x8], $0x2000, $0x38;
	[tilespmem:$0xAC80] =	vst v63  }
0x37: {  	_ =	swait.ge [sflag:s23], $0x2000  }
0x38: {  	[sflag:s23] =	ssyncset.done $0x0  }
0x39: {  	s0 =	simm.s32 @!p0 $0x300;
	s1 =	simm.s32 @!p0 $0x2C80;
	[sflag:s23] =	ssyncadd.s32 $0xFFFFE000  }
0x3a: {  	[tilespmem:s1], [sflag:$0x2] =	stream.indirect.gather @!p0 [hbm4b:s3+s4], $0x40, s0, s4, $0xb8;
	[tilespmem:$0xAC80] =	vst v63  }
0x3b: {  	_ =	swait.ge [sflag:s24], $0x2000  }
0x3c: {  	[sflag:s24] =	ssyncset.done $0x0  }
0x3d: {  	s31 =	sadd.s32 $0x1400, s28;
	[sflag:s24] =	ssyncadd.s32 $0xFFFFE000  }
0x3e: {  	[hbm4b:s10+s2] =	stream.linear.scatter [tilespmem:s17], [sflag:$0x9], $0x2000, $0x38;
	[tilespmem:$0xAC80] =	vst v63  }
0x3f: {  	p1 =	por $0x0, $0x0;
	s9 =	smov.u32 s28;
	_ =	swait.ge [sflag:s25], $0x2000  }
0x40: {  	s11 =	simm.s32 $0x1400;
	s15 =	simm.s32 $0xA00;
	[sflag:s25] =	ssyncset.done $0x0  }
0x41: {  	s5 =	simm.s32 @!p0 $0x4C80;
	s0 =	simm.s32 @!p0 $0x380;
	[sflag:s25] =	ssyncadd.s32 $0xFFFFE000  }
0x42: {  	[tilespmem:s5], [sflag:$0x3] =	stream.indirect.gather @!p0 [hbm4b:s3+s4], $0x40, s0, s4, $0xb8;
	[tilespmem:$0xAC80] =	vst v63  }
0x43: {  	s1 =	sadd.s32 $0x1400, s10;
	s4 =	sadd.s32 $0x1400, s7;
	_ =	swait.ge [sflag:s26], $0x2000  }
0x44: {  	s5 =	sadd.s32 $0x1400, s8;
	s0 =	sadd.s32 $0x1400, s6;
	[sflag:s26] =	ssyncset.done $0x0  }
.LBB2_2:
0x45: {  	s29 =	simm.s32 @!p1 $0x9  }
0x46: {  	[sflag:s26] =	ssyncadd.s32 $0xFFFFE000;
	s6 =	smov.u32 s11;
	s11 =	sadd.s32 $0xA00, s11  }
0x47: {  	[hbm4b:s9+s2] =	stream.linear.scatter [tilespmem:s19], [sflag:$0xA], $0x2000, $0x38;
	[tilespmem:$0xAC80] =	vst v63  }
0x48: {  	p0 =	sne.s32 s11, $0x3200;
	s9 =	smov.u32 s31;
	_ =	swait.ge @!p1 [sflag:s29], $0x2000  }
0x49: {  	s7 =	sshra.s32 s15, $0x2;
	[sflag:s29] =	ssyncset.done @!p1 $0x0  }
0x4a: {  	[sflag:s29] =	ssyncadd.s32 @!p1 $0xFFFFE000;
	s29 =	sadd.s32 $0x180, s7  }
0x4b: {  	[tilespmem:s17], [sflag:$0x4] =	stream.indirect.gather [hbm4b:s3+s12], $0x40, s29, s12, $0xb8;
	[tilespmem:$0xAC80] =	vst v63  }
0x4c: {  	_ =	swait.ge [sflag:s18], $0x2000  }
0x4d: {  	[sflag:s18] =	ssyncset.done $0x0  }
0x4e: {  	s29 =	simm.s32 @!p1 $0xA;
	[sflag:s18] =	ssyncadd.s32 $0xFFFFE000  }
0x4f: {  	[hbm4b:s5+s2] =	stream.linear.scatter [tilespmem:s13], [sflag:$0x6], $0x2000, $0x38;
	[tilespmem:$0xAC80] =	vst v63  }
0x50: {  	_ =	swait.ge @!p1 [sflag:s29], $0x2000  }
0x51: {  	[sflag:s29] =	ssyncset.done @!p1 $0x0  }
0x52: {  	s7 =	sadd.s32 $0x200, s7;
	[sflag:s29] =	ssyncadd.s32 @!p1 $0xFFFFE000  }
0x53: {  	[tilespmem:s19], [sflag:$0x5] =	stream.indirect.gather [hbm4b:s3+s12], $0x40, s7, s12, $0xb8;
	[tilespmem:$0xAC80] =	vst v63  }
0x54: {  	_ =	swait.ge [sflag:s20], $0x2000  }
0x55: {  	[sflag:s20] =	ssyncset.done $0x0  }
0x56: {  	[sflag:s20] =	ssyncadd.s32 $0xFFFFE000  }
0x57: {  	[hbm4b:s4+s2] =	stream.linear.scatter [tilespmem:s14], [sflag:$0x7], $0x2000, $0x38;
	[tilespmem:$0xAC80] =	vst v63  }
0x58: {  	p1 =	seq.s32 s15, $0x2800;
	_ =	swait.ge [sflag:s21], $0x2000  }
0x59: {  	s7 =	sshra.s32 @!p1 s15, $0x2;
	s15 =	simm.s32 @!p1 $0xC80;
	[sflag:s21] =	ssyncset.done $0x0  }
0x5a: {  	s8 =	simm.s32 @!p1 $0x80;
	s29 =	sadd.s32 @!p1 $0x280, s7;
	[sflag:s21] =	ssyncadd.s32 $0xFFFFE000  }
0x5b: {  	[tilespmem:s15], [sflag:$0x1] =	stream.indirect.gather @!p1 [hbm4b:s3+s8], $0x40, s29, s8, $0xb8;
	[tilespmem:$0xAC80] =	vst v63  }
0x5c: {  	s29 =	sadd.s32 @!p1 $0x300, s7;
	s7 =	sadd.s32 @!p1 $0x380, s7;
	_ =	swait.ge [sflag:s22], $0x2000  }
0x5d: {  	s15 =	smov.u32 s6;
	[sflag:s22] =	ssyncset.done $0x0  }
0x5e: {  	[sflag:s22] =	ssyncadd.s32 $0xFFFFE000  }
0x5f: {  	[hbm4b:s0+s2] =	stream.linear.scatter [tilespmem:s16], [sflag:$0x8], $0x2000, $0x38;
	[tilespmem:$0xAC80] =	vst v63  }
0x60: {  	_ =	swait.ge [sflag:s23], $0x2000  }
0x61: {  	[sflag:s23] =	ssyncset.done $0x0  }
0x62: {  	s6 =	simm.s32 @!p1 $0x2C80;
	[sflag:s23] =	ssyncadd.s32 $0xFFFFE000  }
0x63: {  	[tilespmem:s6], [sflag:$0x2] =	stream.indirect.gather @!p1 [hbm4b:s3+s8], $0x40, s29, s8, $0xb8;
	[tilespmem:$0xAC80] =	vst v63  }
0x64: {  	_ =	swait.ge [sflag:s24], $0x2000  }
0x65: {  	[sflag:s24] =	ssyncset.done $0x0  }
0x66: {  	[sflag:s24] =	ssyncadd.s32 $0xFFFFE000  }
0x67: {  	[hbm4b:s1+s2] =	stream.linear.scatter [tilespmem:s17], [sflag:$0x9], $0x2000, $0x38;
	[tilespmem:$0xAC80] =	vst v63  }
0x68: {  	_ =	swait.ge [sflag:s25], $0x2000  }
.Ltmp0:
0x69: {  	s1 =	sadd.s32 $0x1400, s1;
	[sflag:s25] =	ssyncset.done $0x0;
	(pc) =	sbr.rel @p0 .LBB2_2-.Ltmp0, $4  }
0x6a: {  	s31 =	sadd.s32 $0x1400, s31;
	s6 =	simm.s32 @!p1 $0x4C80;
	[sflag:s25] =	ssyncadd.s32 $0xFFFFE000  }
0x6b: {  	[tilespmem:s6], [sflag:$0x3] =	stream.indirect.gather @!p1 [hbm4b:s3+s8], $0x40, s7, s8, $0xb8;
	[tilespmem:$0xAC80] =	vst v63  }
0x6c: {  	s5 =	sadd.s32 $0x1400, s5;
	s4 =	sadd.s32 $0x1400, s4;
	_ =	swait.ge [sflag:s26], $0x2000  }
0x6d: {  	s0 =	sadd.s32 $0x1400, s0;
	p1 =	seq.s32 s15, $0x0;
	[sflag:s26] =	ssyncset.done $0x0  }
0x6e: {  	s6 =	simm.s32 @!p1 $0x9;
	[sflag:s26] =	ssyncadd.s32 $0xFFFFE000  }
0x6f: {  	[hbm4b:s9+s2] =	stream.linear.scatter [tilespmem:s19], [sflag:$0xA], $0x2000, $0x38;
	[tilespmem:$0xAC80] =	vst v63  }
0x70: {  	_ =	swait.ge @!p1 [sflag:s6], $0x2000  }
0x71: {  	s7 =	sshra.s32 s15, $0x2;
	[sflag:s6] =	ssyncset.done @!p1 $0x0  }
0x72: {  	s9 =	sadd.s32 $0x180, s7;
	[sflag:s6] =	ssyncadd.s32 @!p1 $0xFFFFE000  }
0x73: {  	[tilespmem:s17], [sflag:$0x4] =	stream.indirect.gather [hbm4b:s3+s12], $0x40, s9, s12, $0xb8;
	[tilespmem:$0xAC80] =	vst v63  }
0x74: {  	_ =	swait.ge [sflag:s18], $0x2000  }
0x75: {  	[sflag:s18] =	ssyncset.done $0x0  }
0x76: {  	[sflag:s18] =	ssyncadd.s32 $0xFFFFE000  }
0x77: {  	[hbm4b:s5+s2] =	stream.linear.scatter [tilespmem:s13], [sflag:$0x6], $0x2000, $0x38;
	[tilespmem:$0xAC80] =	vst v63  }
0x78: {  	s5 =	simm.s32 @!p1 $0xA  }
0x79: {  	_ =	swait.ge @!p1 [sflag:s5], $0x2000  }
0x7a: {  	[sflag:s5] =	ssyncset.done @!p1 $0x0  }
0x7b: {  	s11 =	sadd.s32 $0x200, s7;
	[sflag:s5] =	ssyncadd.s32 @!p1 $0xFFFFE000  }
0x7c: {  	[tilespmem:s19], [sflag:$0x5] =	stream.indirect.gather [hbm4b:s3+s12], $0x40, s11, s12, $0xb8;
	[tilespmem:$0xAC80] =	vst v63  }
0x7d: {  	_ =	swait.ge [sflag:s20], $0x2000  }
0x7e: {  	[sflag:s20] =	ssyncset.done $0x0  }
0x7f: {  	[sflag:s20] =	ssyncadd.s32 $0xFFFFE000  }
0x80: {  	[hbm4b:s4+s2] =	stream.linear.scatter [tilespmem:s14], [sflag:$0x7], $0x2000, $0x38;
	[tilespmem:$0xAC80] =	vst v63  }
0x81: {  	p0 =	seq.s32 s15, $0x2800;
	_ =	swait.ge [sflag:s21], $0x2000  }
0x82: {  	s7 =	simm.s32 @!p0 $0x80;
	s4 =	sshra.s32 @!p0 s15, $0x2;
	[sflag:s21] =	ssyncset.done $0x0  }
0x83: {  	s5 =	simm.s32 @!p0 $0xC80;
	s6 =	sadd.s32 @!p0 $0x280, s4;
	[sflag:s21] =	ssyncadd.s32 $0xFFFFE000  }
0x84: {  	[tilespmem:s5], [sflag:$0x1] =	stream.indirect.gather @!p0 [hbm4b:s3+s7], $0x40, s6, s7, $0xb8;
	[tilespmem:$0xAC80] =	vst v63  }
0x85: {  	_ =	swait.ge [sflag:s22], $0x2000  }
0x86: {  	[sflag:s22] =	ssyncset.done $0x0  }
0x87: {  	[sflag:s22] =	ssyncadd.s32 $0xFFFFE000  }
0x88: {  	[hbm4b:s0+s2] =	stream.linear.scatter [tilespmem:s16], [sflag:$0x8], $0x2000, $0x38;
	[tilespmem:$0xAC80] =	vst v63  }
0x89: {  	_ =	swait.ge [sflag:s23], $0x2000  }
0x8a: {  	[sflag:s23] =	ssyncset.done $0x0  }
0x8b: {  	s5 =	simm.s32 @!p0 $0x2C80;
	s0 =	sadd.s32 @!p0 $0x300, s4;
	[sflag:s23] =	ssyncadd.s32 $0xFFFFE000  }
0x8c: {  	[tilespmem:s5], [sflag:$0x2] =	stream.indirect.gather @!p0 [hbm4b:s3+s7], $0x40, s0, s7, $0xb8;
	[tilespmem:$0xAC80] =	vst v63  }
0x8d: {  	_ =	swait.ge [sflag:s24], $0x2000  }
0x8e: {  	[sflag:s24] =	ssyncset.done $0x0  }
0x8f: {  	[sflag:s24] =	ssyncadd.s32 $0xFFFFE000  }
0x90: {  	[hbm4b:s1+s2] =	stream.linear.scatter [tilespmem:s17], [sflag:$0x9], $0x2000, $0x38;
	[tilespmem:$0xAC80] =	vst v63  }
0x91: {  	_ =	swait.ge [sflag:s25], $0x2000  }
0x92: {  	[sflag:s25] =	ssyncset.done $0x0  }
0x93: {  	s0 =	sadd.s32 @!p0 $0x380, s4;
	s1 =	simm.s32 @!p0 $0x4C80;
	[sflag:s25] =	ssyncadd.s32 $0xFFFFE000  }
0x94: {  	[tilespmem:s1], [sflag:$0x3] =	stream.indirect.gather @!p0 [hbm4b:s3+s7], $0x40, s0, s7, $0xb8;
	[tilespmem:$0xAC80] =	vst v63  }
0x95: {  	_ =	swait.ge [sflag:s26], $0x2000  }
0x96: {  	[sflag:s26] =	ssyncset.done $0x0  }
0x97: {  	s15 =	simm.s32 $0x9;
	[sflag:s26] =	ssyncadd.s32 $0xFFFFE000  }
0x98: {  	[hbm4b:s31+s2] =	stream.linear.scatter [tilespmem:s19], [sflag:$0xA], $0x2000, $0x38;
	[tilespmem:$0xAC80] =	vst v63  }
0x99: {  	_ =	swait.ge [sflag:s15], $0x2000  }
0x9a: {  	[sflag:s15] =	ssyncset.done $0x0  }
0x9b: {  	s29 =	simm.s32 $0xA;
	[sflag:s15] =	ssyncadd.s32 $0xFFFFE000  }
0x9c: {  	_ =	swait.ge [sflag:s29], $0x2000  }
0x9d: {  	s30 =	sadd.s32 $0x1, s30;
	s31 =	rddreg [dreg:$0x3]  }
0x9e: {  	p0 =	sne.s32 s30, s31  }
.Ltmp1:
0x9f: {  	_ = 	snop;
	(pc) =	sbr.rel @p0 .LBB2_1-.Ltmp1, $3  }
0xa0: {  	_ =	sdelay $0x1  }
0xa1: {  	[sflag:s29] =	ssyncset.done $0x0  }
0xa2: {  	[sflag:s29] =	ssyncadd.s32 $0xFFFFE000  }
0xa3: {  	_ =	sfence.sel $0x180000  }
0xa4: {  	[bflag:$0x0] =	sbarrier.arrive $0xFFFF  }
0xa5: {  	_ =	strace $0x9000004A  }
0xa6: {  	s0 =	stileid.u32;
	[bflag:$0x2] =	sbarrier.arrive $0xFFFF  }
0xa7: {  	p0 =	sne.s32 s0, $0x0;
	s0 =	rddreg [dreg:$0x1]  }
0xa8: {  	s0 =	sadd.s32 @!p0 $0x100000, s0  }
0xa9: {  	[sflag:s0] =	ssyncadd.tile.s32 @!p0 $0x1;
	_ =	shalt  }
.Lfunc_end2:
_tile_overlayer_lowered:
.L_overlay_start_2:
0xaa: {  	(tag) =	ssettag $0x2  }
0xab: {  	s0 =	rddreg [dreg:$0x0];
	s2 =	stileid.u32  }
0xac: {  	s1 =	rddreg [dreg:$0x1];
	p0 =	sne.s32 s2, $0x0  }
0xad: {  	s3 =	rddreg [dreg:$0x2];
	[bflag:$0x3] =	sbarrier.arrive $0xFFFF;
	s2 =	simm.s32 @!p0 $0x1C0B  }
0xae: {  	[timem:s3], [sflag:s2] =	dma.local @!p0 [hbm:s0], s1  }
0xaf: {  	s0 =	simm.s32 @!p0 $0xB  }
0xb0: {  	_ =	swait.ge @!p0 [sflag:s0], s1  }
0xb1: {  	s1 =	ssub.s32 @!p0 $0x0, s1;
	[sflag:s0] =	ssyncset.done @!p0 $0x0  }
0xb2: {  	[sflag:s0] =	ssyncadd.s32 @!p0 s1  }
0xb3: {  	[bflag:$0x3] =	sbarrier.arrive $0xFFFF  }
0xb4: {  	_ =	shalt  }

// kernel: kernel.7.cloned.1.call-start
scs
__scs_entry_jumppad:
0x0: {  	(pc) =	sbr.rel $0x88, $3  }
0x1: {  	(tag) =	ssettag $0x0;
	lr =	simm.s32 $0x1  }
0x2: {  	[smem:$0x3F9F] =	sst lr;
	_ =	strace $0xD0000000  }
0x3: {  	_ = 	snop  }
0x4: {  	_ = 	snop  }
0x5: {  	_ = 	snop  }
0x6: {  	_ = 	snop  }
0x7: {  	_ = 	snop  }
__scs_overlays_trampoline_lowered:
0x8: {  	[smem:$0x3FAE] =	sst s0  }
0x9: {  	[smem:$0x3FAF] =	sst s1  }
0xa: {  	[smem:$0x3FB0] =	sst s2  }
0xb: {  	[smem:$0x3FB1] =	sst s3  }
0xc: {  	[smem:$0x3FB2] =	sst s4  }
0xd: {  	[smem:$0x3FB3] =	sst s5  }
0xe: {  	[smem:$0x3FB4] =	sst s6  }
0xf: {  	[smem:$0x3FB5] =	sst s7  }
0x10: {  	[smem:$0x3FB6] =	sst s8  }
0x11: {  	[smem:$0x3FB7] =	sst s9;
	s0 =	simm.s32 @!p0 $0x0  }
0x12: {  	s1 =	sld [smem:$0x3F9D];
	s0 =	simm.s32 @p0 $0x1  }
0x13: {  	[smem:$0x3FB8] =	sst s0;
	s0 =	simm.s32 @!p1 $0x0  }
0x14: {  	s2 =	sld [smem:$0x3F9C];
	s0 =	simm.s32 @p1 $0x1  }
0x15: {  	[smem:$0x3FB9] =	sst s0;
	s0 =	simm.s32 @!p2 $0x0  }
0x16: {  	s3 =	sld [smem:$0x3FDB];
	s0 =	simm.s32 @p2 $0x1  }
0x17: {  	s4 =	simm.s32 $0x1BF5;
	[smem:$0x3FBB] =	sst s0  }
0x18: {  	s0 =	sld [smem:$0x3F9E];
	_ =	swait.ge [sflag:s4], $0x0  }
0x19: {  	s7 =	sld [smem:$0x3F9F]  }
0x1a: {  	s8 =	sadd.s32 $0xFFFFE003, lr  }
0x1b: {  	s9 =	sadd.s32 $0xFFFFFEF7, lr;
	s5 =	simm.s32 $0xFFFFFFFF;
	p2 =	slt.u32 s8, $0xFFFFF086  }
0x1c: {  	p1 =	slt.u32 s9, $0xF7A;
	s5 =	simm.s32 @!p2 $0x0  }
0x1d: {  	s5 =	simm.s32 @p1 $0x1;
	p0 =	seq.s32 s7, s2  }
0x1e: {  	s7 =	smul.u32 @!p0 $0xF7A, s2;
	p2 =	seq.s32 @!p0 s5, $0x0  }
0x1f: {  	s9 =	smul.u32 $0xF7A, s1;
	s8 =	simm.s32 @!p0 $0x1BF5;
	p2 =	por !p2, p0  }
0x20: {  	[sflag:s8] =	ssyncset.s32 @!p0 $0xFFFFF086;
	s6 =	sadd.s32 @!p0 s3, s7;
	s7 =	simm.s32 @!p0 $0x108  }
0x21: {  	s3 =	sadd.s32 s3, s9;
	s6 =	sadd.s32 @!p0 $0x88, s6;
	s7 =	simm.s32 @p2 $0x1082  }
0x22: {  	[simem:s7], [sflag:s8] =	dma.local @!p0 [hbm:s6], $0xF7A  }
0x23: {  	s9 =	sor.u32 $0xD0000000, s2;
	s6 =	simm.s32 $0x108;
	_ =	swait.ge @!p0 [sflag:s8], $0x0  }
0x24: {  	s3 =	sadd.s32 $0x88, s3;
	s6 =	simm.s32 @!p1 $0x1082;
	[sflag:s4] =	ssyncset.s32 $0xFFFFF086  }
0x25: {  	[simem:s6], [sflag:s4] =	dma.local [hbm:s3], $0xF7A  }
0x26: {  	[smem:$0x3F9F] =	sst s1;
	(tag) =	ssettag s2;
	_ =	strace s9  }
0x27: {  	s1 =	sld [smem:$0x3FAF]  }
0x28: {  	s2 =	sld [smem:$0x3FB0]  }
0x29: {  	s4 =	sld [smem:$0x3FB2]  }
0x2a: {  	p0 =	seq.s32 s5, $0x0;
	s5 =	sld [smem:$0x3FB3]  }
0x2b: {  	s6 =	sld [smem:$0x3FB4]  }
0x2c: {  	s7 =	sld [smem:$0x3FB5]  }
0x2d: {  	s3 =	simm.s32 $0x108;
	s8 =	sld [smem:$0x3FB6]  }
0x2e: {  	s3 =	simm.s32 @!p0 $0x1082;
	s9 =	sld [smem:$0x3FB7]  }
0x2f: {  	lr =	sadd.s32 s0, s3;
	s0 =	sld [smem:$0x3FAE]  }
0x30: {  	s3 =	sld [smem:$0x3FB1]  }
0x31: {  	[smem:$0x3FBA] =	sst s10  }
0x32: {  	s10 =	sld [smem:$0x3FB8];
	_ =	sdelay $0x3  }
0x33: {  	p0 =	seq.s32 s10, $0x1;
	s10 =	sld [smem:$0x3FBA];
	_ =	sdelay $0x3  }
0x34: {  	[smem:$0x3FBA] =	sst s10  }
0x35: {  	s10 =	sld [smem:$0x3FB9];
	_ =	sdelay $0x3  }
0x36: {  	p1 =	seq.s32 s10, $0x1;
	s10 =	sld [smem:$0x3FBA];
	_ =	sdelay $0x3  }
0x37: {  	[smem:$0x3FBA] =	sst s10  }
0x38: {  	s10 =	sld [smem:$0x3FBB]  }
0x39: {  	_ = 	snop;
	(pc) =	sbr.ind lr, $3  }
0x3a: {  	_ = 	snop  }
0x3b: {  	_ = 	snop  }
0x3c: {  	p2 =	seq.s32 s10, $0x1;
	s10 =	sld [smem:$0x3FBA]  }
0x3d: {  	_ =	shalt  }
0x3e: {  	_ =	shalt  }
0x3f: {  	_ =	shalt  }
0x40: {  	_ =	shalt  }
0x41: {  	_ =	shalt  }
0x42: {  	_ =	shalt  }
0x43: {  	_ =	shalt  }
0x44: {  	_ =	shalt  }
0x45: {  	_ =	shalt  }
0x46: {  	_ =	shalt  }
0x47: {  	_ =	shalt  }
0x48: {  	_ =	shalt  }
0x49: {  	_ =	shalt  }
0x4a: {  	_ =	shalt  }
0x4b: {  	_ =	shalt  }
0x4c: {  	_ =	shalt  }
0x4d: {  	_ =	shalt  }
0x4e: {  	_ =	shalt  }
0x4f: {  	_ =	shalt  }
0x50: {  	_ =	shalt  }
0x51: {  	_ =	shalt  }
0x52: {  	_ =	shalt  }
0x53: {  	_ =	shalt  }
0x54: {  	_ =	shalt  }
0x55: {  	_ =	shalt  }
0x56: {  	_ =	shalt  }
0x57: {  	_ =	shalt  }
0x58: {  	_ =	shalt  }
0x59: {  	_ =	shalt  }
0x5a: {  	_ =	shalt  }
0x5b: {  	_ =	shalt  }
0x5c: {  	_ =	shalt  }
0x5d: {  	_ =	shalt  }
0x5e: {  	_ =	shalt  }
0x5f: {  	_ =	shalt  }
0x60: {  	_ =	shalt  }
0x61: {  	_ =	shalt  }
0x62: {  	_ =	shalt  }
0x63: {  	_ =	shalt  }
0x64: {  	_ =	shalt  }
0x65: {  	_ =	shalt  }
0x66: {  	_ =	shalt  }
0x67: {  	_ =	shalt  }
0x68: {  	_ =	shalt  }
0x69: {  	_ =	shalt  }
0x6a: {  	_ =	shalt  }
0x6b: {  	_ =	shalt  }
0x6c: {  	_ =	shalt  }
0x6d: {  	_ =	shalt  }
0x6e: {  	_ =	shalt  }
0x6f: {  	_ =	shalt  }
0x70: {  	_ =	shalt  }
0x71: {  	_ =	shalt  }
0x72: {  	_ =	shalt  }
0x73: {  	_ =	shalt  }
0x74: {  	_ =	shalt  }
0x75: {  	_ =	shalt  }
0x76: {  	_ =	shalt  }
0x77: {  	_ =	shalt  }
0x78: {  	_ =	shalt  }
0x79: {  	_ =	shalt  }
0x7a: {  	_ =	shalt  }
0x7b: {  	_ =	shalt  }
0x7c: {  	_ =	shalt  }
0x7d: {  	_ =	shalt  }
0x7e: {  	_ =	shalt  }
0x7f: {  	_ =	shalt  }
0x80: {  	_ =	shalt  }
0x81: {  	_ =	shalt  }
0x82: {  	_ =	shalt  }
0x83: {  	_ =	shalt  }
0x84: {  	_ =	shalt  }
0x85: {  	_ =	shalt  }
0x86: {  	_ =	shalt  }
0x87: {  	_ =	shalt  }
.Lfunc_end0:
.L_simem_size_0:
called_computation_lowered:
.L_overlay_start_0:
0x88: {  	s2 =	sld [smem:$0x3FD9]  }
0x89: {  	s3 =	sld [smem:$0x3FFE];
	_ =	sdelay $0x1  }
0x8a: {  	s1 =	srdreg.scid  }
0x8b: {  	s0 =	sand.u32 $0x1, s1  }
0x8c: {  	s16 =	sshll.u32 s0, $0xA;
	s2 =	sadd.s32 s3, s2  }
0x8d: {  	s2 =	sadd.s32 s2, s16  }
0x8e: {  	[smem:$0x3FC6] =	sst s2  }
0x8f: {  	_ = 	snop  }
0x90: {  	(tm) =	ssettm $0x1  }
0x91: {  	s17 =	sld [smem:$0x3FFB];
	_ =	sdelay $0x3  }
0x92: {  	_ =	strace s17  }
0x93: {  	s2 =	sld [smem:$0x3FFC];
	_ =	sdelay $0x3  }
0x94: {  	_ =	strace s2  }
0x95: {  	s2 =	sld [smem:$0x3FFD];
	_ =	sdelay $0x3  }
0x96: {  	_ =	strace s2  }
0x97: {  	_ =	strace $0x8FFFFFFF  }
0x98: {  	s18 =	sld [smem:$0x3FDB];
	_ =	sdelay $0x1  }
0x99: {  	s19 =	simm.s32 $_scs_section_size  }
0x9a: {  	s4 =	simm.s32 $_size__tile_overlayer_lowered;
	s5 =	simm.s32 $_tile_overlayer_lowered  }
0x9b: {  	s22 =	simm.s32 $0x1BFF;
	s21 =	sshll.u32 s5, $0x1;
	s2 =	sadd.s32 s19, s18  }
0x9c: {  	s6 =	simm.s32 $0x0;
	s20 =	sshll.u32 s4, $0x1;
	s4 =	sadd.s32 s21, s2  }
0x9d: {  	[timem:s6], [sflag:s22] =	dma.local [hbm:s4], s20  }
0x9e: {  	_ =	swait.ge [sflag:s22], s20  }
0x9f: {  	s3 =	ssub.s32 $0x0, s20;
	[sflag:s22] =	ssyncset.done $0x0  }
0xa0: {  	[sflag:s22] =	ssyncadd.s32 s3;
	_ =	sdelay $0x1  }
0xa1: {  	s23 =	simm.s32 $0x1B8B  }
0xa2: {  	_ =	swait.ge [sflag:s23], $0x1  }
0xa3: {  	[sflag:s23] =	ssyncset.done $0x0  }
0xa4: {  	s25 =	simm.s32 $0x1B8E;
	s24 =	sld [smem:$0x3FFE];
	[sflag:s23] =	ssyncadd.s32 $0xFFFFFFFF  }
0xa5: {  	s26 =	simm.s32 $execute0_lowered;
	[smem:$0x3FD2] =	sst s25  }
0xa6: {  	s4 =	sshll.u32 s26, $0x1;
	_ =	strace $0x80000046;
	[dreg:$0x1] =	wrdreg $0xFFFFFFFF  }
0xa7: {  	s28 =	simm.s32 $_size_execute0_lowered;
	s2 =	sadd.s32 s2, s4;
	[dreg:$0x0] =	wrdreg $0x0  }
0xa8: {  	s4 =	sshll.u32 s28, $0x1;
	[dreg:$0x2] =	wrdreg s2  }
0xa9: {  	[dreg:$0x3] =	wrdreg s4  }
0xaa: {  	[dreg:$0x4] =	wrdreg $0xC0  }
0xab: {  	_ =	task [dreg:s6], $0x5FFFF  }
0xac: {  	[dreg:$0x1] =	wrdreg $0xFFFFFFFF  }
0xad: {  	[dreg:$0x0] =	wrdreg $0x60  }
0xae: {  	[dreg:$0x2] =	wrdreg s24  }
0xaf: {  	[dreg:$0x3] =	wrdreg $0x9  }
0xb0: {  	_ =	task.clear_ibuf [dreg:s6], $0x4FFFF;
	_ =	strace $0x90000046  }
0xb1: {  	s29 =	simm.s32 $0x9;
	_ =	strace $0x80000048  }
0xb2: {  	_ =	swait.ge [sflag:s29], $0x1  }
0xb3: {  	[sflag:s29] =	ssyncadd.s32 $0xFFFFFFFF  }
0xb4: {  	_ =	strace $0x90000048  }
0xb5: {  	_ =	sfence  }
0xb6: {  	s30 =	sld [smem:$0x0];
	_ =	sdelay $0x2  }
0xb7: {  	s31 =	sshll.u32 s1, $0xD;
	s1 =	sshrl.u32 s1, $0x2  }
0xb8: {  	s3 =	sand.u32 $0x4000, s31;
	s1 =	sadd.s32 s1, s30  }
0xb9: {  	s0 =	sor.u32 s3, s0;
	s1 =	sshll.u32 s1, $0x11  }
0xba: {  	s0 =	sor.u32 s1, s0  }
0xbb: {  	s0 =	sadd.s32 $0x8F2B, s0  }
0xbc: {  	[sflag:s0] =	ssyncadd.remote.s32 $0x1  }
0xbd: {  	_ =	sfence.sel $0xFFFF  }
0xbe: {  	[dreg:$0x0] =	wrdreg $0xFFFFFFFF;
	(pc) =	sbr.abs _section_cstart, $3  }
0xbf: {  	[dreg:$0x1] =	wrdreg $0xFFFFFFFF  }
0xc0: {  	_ =	task.clear_ibuf [dreg:s6], $0x2FFFF;
	_ =	strace $0x9FFFFFFF  }
0xc1: {  	(tm) =	ssettm $0x7FFFFFFF  }
tec
execute0_lowered:
.L_overlay_start_1:
0x0: {  	(tag) =	ssettag $0x1  }
0x1: {  	s0 =	srdreg.scid  }
0x2: {  	s9 =	stileid.u32;
	s4 =	rddreg [dreg:$0x0];
	s2 =	simm.s32 $0x0  }
0x3: {  	s12 =	simm.s32 $0x80;
	s13 =	simm.s32 $0xC80;
	s14 =	simm.s32 $0x2C80  }
0x4: {  	s16 =	simm.s32 $0x4C80;
	s17 =	simm.s32 $0x6C80;
	s5 =	smul.u32 $0x1900, s9  }
0x5: {  	s18 =	simm.s32 $0x1;
	s19 =	simm.s32 $0x8C80;
	s21 =	smul.u32 $0x64000, s9  }
0x6: {  	s0 =	sand.u32 $0x1, s0;
	s1 =	sshll.u32 s9, $0x1;
	s9 =	smul.u32 $0xC800, s9  }
0x7: {  	s30 =	simm.s32 $0x0;
	[smem:$0x7FF] =	sst s2;
	s6 =	smul.u32 $0xC80, s0  }
0x8: {  	s3 =	sadd.s32 $0x3A00, s4;
	s1 =	sor.u32 s0, s1;
	s23 =	smul.u32 $0x32000, s0  }
0x9: {  	_ =	strace $0x80000047;
	s7 =	ssub.s32 $0x2, s0;
	s0 =	smul.u32 $0x6400, s0  }
0xa: {  	s1 =	smul.u32 $0x190, s1;
	s8 =	sshrl.u32 s7, $0x1;
	s5 =	sadd.s32 s6, s5  }
0xb: {  	s20 =	ssub.s32 s7, s8;
	s25 =	sadd.s32 s23, s21;
	s21 =	simm.s32 $0x6  }
0xc: {  	s23 =	simm.s32 $0x7;
	s1 =	sadd.s32 s1, s4;
	s4 =	sadd.s32 $0xCBA00, s4  }
0xd: {  	s5 =	sshll.u32 s5, $0x3;
	s6 =	smax.u32 s20, $0x1;
	s29 =	sadd.s32 $0x8000, s25  }
0xe: {  	s20 =	simm.s32 $0x2;
	s1 =	sadd.s32 $0x800, s1;
	s22 =	sadd.s32 s4, s5  }
0xf: {  	[dreg:$0x3] =	wrdreg s6;
	s26 =	sadd.s32 s9, s4;
	s31 =	sshrl.u32 s29, $0x3  }
0x10: {  	[dreg:$0x2] =	wrdreg s1;
	s24 =	sadd.s32 $0x800, s22;
	s1 =	sadd.s32 $0x400, s22  }
0x11: {  	s0 =	sadd.s32 s0, s26;
	s28 =	sadd.s32 s31, s4;
	[dreg:$0x4] =	wrdreg s24  }
0x12: {  	s22 =	simm.s32 $0x3;
	[dreg:$0x5] =	wrdreg s1;
	s1 =	sadd.s32 $0x6000, s25  }
0x13: {  	s26 =	simm.s32 $0x5;
	[dreg:$0x6] =	wrdreg s0;
	s1 =	sshrl.u32 s1, $0x3  }
0x14: {  	s24 =	simm.s32 $0x4;
	s25 =	simm.s32 $0x8;
	s10 =	sadd.s32 s1, s4  }
.LBB2_1:
0x15: {  	s0 =	rddreg [dreg:$0x2];
	s9 =	simm.s32 $0xB  }
0x16: {  	[tilespmem:s2], [sflag:$0xB] =	stream.linear.gather [hbm4b:s0+s2], $0xC80, $0x38;
	[tilespmem:$0xAC80] =	vst v63  }
0x17: {  	_ =	swait.ge [sflag:s9], $0xC80  }
0x18: {  	[sflag:s9] =	ssyncset.done $0x0  }
0x19: {  	[sflag:s9] =	ssyncadd.s32 $0xFFFFF380  }
0x1a: {  	[tilespmem:s13], [sflag:$0x1] =	stream.indirect.gather [hbm4b:s3+s12], $0x40, s2, s12, $0xb8;
	[tilespmem:$0xAC80] =	vst v63  }
0x1b: {  	p0 =	por $0x1, $0x1  }
0x1c: {  	[tilespmem:s14], [sflag:$0x2] =	stream.indirect.gather [hbm4b:s3+s12], $0x40, s12, s12, $0xb8;
	[tilespmem:$0xAC80] =	vst v63  }
0x1d: {  	s11 =	simm.s32 $0x100;
	s0 =	simm.s32 @!p0 $0x9  }
0x1e: {  	[tilespmem:s16], [sflag:$0x3] =	stream.indirect.gather [hbm4b:s3+s12], $0x40, s11, s12, $0xb8;
	[tilespmem:$0xAC80] =	vst v63  }
0x1f: {  	_ =	swait.ge @!p0 [sflag:s0], $0x2000  }
0x20: {  	[sflag:s0] =	ssyncset.done @!p0 $0x0  }
0x21: {  	s15 =	simm.s32 $0x180;
	[sflag:s0] =	ssyncadd.s32 @!p0 $0xFFFFE000  }
0x22: {  	[tilespmem:s17], [sflag:$0x4] =	stream.indirect.gather [hbm4b:s3+s12], $0x40, s15, s12, $0xb8;
	[tilespmem:$0xAC80] =	vst v63  }
0x23: {  	_ =	swait.ge [sflag:s18], $0x2000  }
0x24: {  	[sflag:s18] =	ssyncset.done $0x0  }
0x25: {  	s0 =	simm.s32 @!p0 $0xA;
	s8 =	rddreg [dreg:$0x6];
	[sflag:s18] =	ssyncadd.s32 $0xFFFFE000  }
0x26: {  	[hbm4b:s8+s2] =	stream.linear.scatter [tilespmem:s13], [sflag:$0x6], $0x2000, $0x38;
	[tilespmem:$0xAC80] =	vst v63  }
0x27: {  	_ =	swait.ge @!p0 [sflag:s0], $0x2000  }
0x28: {  	[sflag:s0] =	ssyncset.done @!p0 $0x0  }
0x29: {  	s29 =	simm.s32 $0x200;
	[sflag:s0] =	ssyncadd.s32 @!p0 $0xFFFFE000  }
0x2a: {  	[tilespmem:s19], [sflag:$0x5] =	stream.indirect.gather [hbm4b:s3+s12], $0x40, s29, s12, $0xb8;
	[tilespmem:$0xAC80] =	vst v63  }
0x2b: {  	_ =	swait.ge [sflag:s20], $0x2000  }
0x2c: {  	[sflag:s20] =	ssyncset.done $0x0  }
0x2d: {  	s7 =	rddreg [dreg:$0x5];
	[sflag:s20] =	ssyncadd.s32 $0xFFFFE000  }
0x2e: {  	[hbm4b:s7+s2] =	stream.linear.scatter [tilespmem:s14], [sflag:$0x7], $0x2000, $0x38;
	[tilespmem:$0xAC80] =	vst v63  }
0x2f: {  	p0 =	por $0x0, $0x0;
	_ =	swait.ge [sflag:s21], $0x2000  }
0x30: {  	s0 =	simm.s32 @!p0 $0xC80;
	[sflag:s21] =	ssyncset.done $0x0  }
0x31: {  	s1 =	simm.s32 @!p0 $0x280;
	s4 =	simm.s32 @!p0 $0x80;
	[sflag:s21] =	ssyncadd.s32 $0xFFFFE000  }
0x32: {  	[tilespmem:s0], [sflag:$0x1] =	stream.indirect.gather @!p0 [hbm4b:s3+s4], $0x40, s1, s4, $0xb8;
	[tilespmem:$0xAC80] =	vst v63  }
0x33: {  	_ =	swait.ge [sflag:s22], $0x2000  }
0x34: {  	[sflag:s22] =	ssyncset.done $0x0  }
0x35: {  	s6 =	rddreg [dreg:$0x4];
	[sflag:s22] =	ssyncadd.s32 $0xFFFFE000  }
0x36: {  	[hbm4b:s6+s2] =	stream.linear.scatter [tilespmem:s16], [sflag:$0x8], $0x2000, $0x38;
	[tilespmem:$0xAC80] =	vst v63  }
0x37: {  	_ =	swait.ge [sflag:s23], $0x2000  }
0x38: {  	[sflag:s23] =	ssyncset.done $0x0  }
0x39: {  	s0 =	simm.s32 @!p0 $0x300;
	s1 =	simm.s32 @!p0 $0x2C80;
	[sflag:s23] =	ssyncadd.s32 $0xFFFFE000  }
0x3a: {  	[tilespmem:s1], [sflag:$0x2] =	stream.indirect.gather @!p0 [hbm4b:s3+s4], $0x40, s0, s4, $0xb8;
	[tilespmem:$0xAC80] =	vst v63  }
0x3b: {  	_ =	swait.ge [sflag:s24], $0x2000  }
0x3c: {  	[sflag:s24] =	ssyncset.done $0x0  }
0x3d: {  	s31 =	sadd.s32 $0x1400, s28;
	[sflag:s24] =	ssyncadd.s32 $0xFFFFE000  }
0x3e: {  	[hbm4b:s10+s2] =	stream.linear.scatter [tilespmem:s17], [sflag:$0x9], $0x2000, $0x38;
	[tilespmem:$0xAC80] =	vst v63  }
0x3f: {  	p1 =	por $0x0, $0x0;
	s9 =	smov.u32 s28;
	_ =	swait.ge [sflag:s25], $0x2000  }
0x40: {  	s11 =	simm.s32 $0x1400;
	s15 =	simm.s32 $0xA00;
	[sflag:s25] =	ssyncset.done $0x0  }
0x41: {  	s5 =	simm.s32 @!p0 $0x4C80;
	s0 =	simm.s32 @!p0 $0x380;
	[sflag:s25] =	ssyncadd.s32 $0xFFFFE000  }
0x42: {  	[tilespmem:s5], [sflag:$0x3] =	stream.indirect.gather @!p0 [hbm4b:s3+s4], $0x40, s0, s4, $0xb8;
	[tilespmem:$0xAC80] =	vst v63  }
0x43: {  	s1 =	sadd.s32 $0x1400, s10;
	s4 =	sadd.s32 $0x1400, s7;
	_ =	swait.ge [sflag:s26], $0x2000  }
0x44: {  	s5 =	sadd.s32 $0x1400, s8;
	s0 =	sadd.s32 $0x1400, s6;
	[sflag:s26] =	ssyncset.done $0x0  }
.LBB2_2:
0x45: {  	s29 =	simm.s32 @!p1 $0x9  }
0x46: {  	[sflag:s26] =	ssyncadd.s32 $0xFFFFE000;
	s6 =	smov.u32 s11;
	s11 =	sadd.s32 $0xA00, s11  }
0x47: {  	[hbm4b:s9+s2] =	stream.linear.scatter [tilespmem:s19], [sflag:$0xA], $0x2000, $0x38;
	[tilespmem:$0xAC80] =	vst v63  }
0x48: {  	p0 =	sne.s32 s11, $0x3200;
	s9 =	smov.u32 s31;
	_ =	swait.ge @!p1 [sflag:s29], $0x2000  }
0x49: {  	s7 =	sshra.s32 s15, $0x2;
	[sflag:s29] =	ssyncset.done @!p1 $0x0  }
0x4a: {  	[sflag:s29] =	ssyncadd.s32 @!p1 $0xFFFFE000;
	s29 =	sadd.s32 $0x180, s7  }
0x4b: {  	[tilespmem:s17], [sflag:$0x4] =	stream.indirect.gather [hbm4b:s3+s12], $0x40, s29, s12, $0xb8;
	[tilespmem:$0xAC80] =	vst v63  }
0x4c: {  	_ =	swait.ge [sflag:s18], $0x2000  }
0x4d: {  	[sflag:s18] =	ssyncset.done $0x0  }
0x4e: {  	s29 =	simm.s32 @!p1 $0xA;
	[sflag:s18] =	ssyncadd.s32 $0xFFFFE000  }
0x4f: {  	[hbm4b:s5+s2] =	stream.linear.scatter [tilespmem:s13], [sflag:$0x6], $0x2000, $0x38;
	[tilespmem:$0xAC80] =	vst v63  }
0x50: {  	_ =	swait.ge @!p1 [sflag:s29], $0x2000  }
0x51: {  	[sflag:s29] =	ssyncset.done @!p1 $0x0  }
0x52: {  	s7 =	sadd.s32 $0x200, s7;
	[sflag:s29] =	ssyncadd.s32 @!p1 $0xFFFFE000  }
0x53: {  	[tilespmem:s19], [sflag:$0x5] =	stream.indirect.gather [hbm4b:s3+s12], $0x40, s7, s12, $0xb8;
	[tilespmem:$0xAC80] =	vst v63  }
0x54: {  	_ =	swait.ge [sflag:s20], $0x2000  }
0x55: {  	[sflag:s20] =	ssyncset.done $0x0  }
0x56: {  	[sflag:s20] =	ssyncadd.s32 $0xFFFFE000  }
0x57: {  	[hbm4b:s4+s2] =	stream.linear.scatter [tilespmem:s14], [sflag:$0x7], $0x2000, $0x38;
	[tilespmem:$0xAC80] =	vst v63  }
0x58: {  	p1 =	seq.s32 s15, $0x2800;
	_ =	swait.ge [sflag:s21], $0x2000  }
0x59: {  	s7 =	sshra.s32 @!p1 s15, $0x2;
	s15 =	simm.s32 @!p1 $0xC80;
	[sflag:s21] =	ssyncset.done $0x0  }
0x5a: {  	s8 =	simm.s32 @!p1 $0x80;
	s29 =	sadd.s32 @!p1 $0x280, s7;
	[sflag:s21] =	ssyncadd.s32 $0xFFFFE000  }
0x5b: {  	[tilespmem:s15], [sflag:$0x1] =	stream.indirect.gather @!p1 [hbm4b:s3+s8], $0x40, s29, s8, $0xb8;
	[tilespmem:$0xAC80] =	vst v63  }
0x5c: {  	s29 =	sadd.s32 @!p1 $0x300, s7;
	s7 =	sadd.s32 @!p1 $0x380, s7;
	_ =	swait.ge [sflag:s22], $0x2000  }
0x5d: {  	s15 =	smov.u32 s6;
	[sflag:s22] =	ssyncset.done $0x0  }
0x5e: {  	[sflag:s22] =	ssyncadd.s32 $0xFFFFE000  }
0x5f: {  	[hbm4b:s0+s2] =	stream.linear.scatter [tilespmem:s16], [sflag:$0x8], $0x2000, $0x38;
	[tilespmem:$0xAC80] =	vst v63  }
0x60: {  	_ =	swait.ge [sflag:s23], $0x2000  }
0x61: {  	[sflag:s23] =	ssyncset.done $0x0  }
0x62: {  	s6 =	simm.s32 @!p1 $0x2C80;
	[sflag:s23] =	ssyncadd.s32 $0xFFFFE000  }
0x63: {  	[tilespmem:s6], [sflag:$0x2] =	stream.indirect.gather @!p1 [hbm4b:s3+s8], $0x40, s29, s8, $0xb8;
	[tilespmem:$0xAC80] =	vst v63  }
0x64: {  	_ =	swait.ge [sflag:s24], $0x2000  }
0x65: {  	[sflag:s24] =	ssyncset.done $0x0  }
0x66: {  	[sflag:s24] =	ssyncadd.s32 $0xFFFFE000  }
0x67: {  	[hbm4b:s1+s2] =	stream.linear.scatter [tilespmem:s17], [sflag:$0x9], $0x2000, $0x38;
	[tilespmem:$0xAC80] =	vst v63  }
0x68: {  	_ =	swait.ge [sflag:s25], $0x2000  }
.Ltmp0:
0x69: {  	s1 =	sadd.s32 $0x1400, s1;
	[sflag:s25] =	ssyncset.done $0x0;
	(pc) =	sbr.rel @p0 .LBB2_2-.Ltmp0, $4  }
0x6a: {  	s31 =	sadd.s32 $0x1400, s31;
	s6 =	simm.s32 @!p1 $0x4C80;
	[sflag:s25] =	ssyncadd.s32 $0xFFFFE000  }
0x6b: {  	[tilespmem:s6], [sflag:$0x3] =	stream.indirect.gather @!p1 [hbm4b:s3+s8], $0x40, s7, s8, $0xb8;
	[tilespmem:$0xAC80] =	vst v63  }
0x6c: {  	s5 =	sadd.s32 $0x1400, s5;
	s4 =	sadd.s32 $0x1400, s4;
	_ =	swait.ge [sflag:s26], $0x2000  }
0x6d: {  	s0 =	sadd.s32 $0x1400, s0;
	p1 =	seq.s32 s15, $0x0;
	[sflag:s26] =	ssyncset.done $0x0  }
0x6e: {  	s6 =	simm.s32 @!p1 $0x9;
	[sflag:s26] =	ssyncadd.s32 $0xFFFFE000  }
0x6f: {  	[hbm4b:s9+s2] =	stream.linear.scatter [tilespmem:s19], [sflag:$0xA], $0x2000, $0x38;
	[tilespmem:$0xAC80] =	vst v63  }
0x70: {  	_ =	swait.ge @!p1 [sflag:s6], $0x2000  }
0x71: {  	s7 =	sshra.s32 s15, $0x2;
	[sflag:s6] =	ssyncset.done @!p1 $0x0  }
0x72: {  	s9 =	sadd.s32 $0x180, s7;
	[sflag:s6] =	ssyncadd.s32 @!p1 $0xFFFFE000  }
0x73: {  	[tilespmem:s17], [sflag:$0x4] =	stream.indirect.gather [hbm4b:s3+s12], $0x40, s9, s12, $0xb8;
	[tilespmem:$0xAC80] =	vst v63  }
0x74: {  	_ =	swait.ge [sflag:s18], $0x2000  }
0x75: {  	[sflag:s18] =	ssyncset.done $0x0  }
0x76: {  	[sflag:s18] =	ssyncadd.s32 $0xFFFFE000  }
0x77: {  	[hbm4b:s5+s2] =	stream.linear.scatter [tilespmem:s13], [sflag:$0x6], $0x2000, $0x38;
	[tilespmem:$0xAC80] =	vst v63  }
0x78: {  	s5 =	simm.s32 @!p1 $0xA  }
0x79: {  	_ =	swait.ge @!p1 [sflag:s5], $0x2000  }
0x7a: {  	[sflag:s5] =	ssyncset.done @!p1 $0x0  }
0x7b: {  	s11 =	sadd.s32 $0x200, s7;
	[sflag:s5] =	ssyncadd.s32 @!p1 $0xFFFFE000  }
0x7c: {  	[tilespmem:s19], [sflag:$0x5] =	stream.indirect.gather [hbm4b:s3+s12], $0x40, s11, s12, $0xb8;
	[tilespmem:$0xAC80] =	vst v63  }
0x7d: {  	_ =	swait.ge [sflag:s20], $0x2000  }
0x7e: {  	[sflag:s20] =	ssyncset.done $0x0  }
0x7f: {  	[sflag:s20] =	ssyncadd.s32 $0xFFFFE000  }
0x80: {  	[hbm4b:s4+s2] =	stream.linear.scatter [tilespmem:s14], [sflag:$0x7], $0x2000, $0x38;
	[tilespmem:$0xAC80] =	vst v63  }
0x81: {  	p0 =	seq.s32 s15, $0x2800;
	_ =	swait.ge [sflag:s21], $0x2000  }
0x82: {  	s7 =	simm.s32 @!p0 $0x80;
	s4 =	sshra.s32 @!p0 s15, $0x2;
	[sflag:s21] =	ssyncset.done $0x0  }
0x83: {  	s5 =	simm.s32 @!p0 $0xC80;
	s6 =	sadd.s32 @!p0 $0x280, s4;
	[sflag:s21] =	ssyncadd.s32 $0xFFFFE000  }
0x84: {  	[tilespmem:s5], [sflag:$0x1] =	stream.indirect.gather @!p0 [hbm4b:s3+s7], $0x40, s6, s7, $0xb8;
	[tilespmem:$0xAC80] =	vst v63  }
0x85: {  	_ =	swait.ge [sflag:s22], $0x2000  }
0x86: {  	[sflag:s22] =	ssyncset.done $0x0  }
0x87: {  	[sflag:s22] =	ssyncadd.s32 $0xFFFFE000  }
0x88: {  	[hbm4b:s0+s2] =	stream.linear.scatter [tilespmem:s16], [sflag:$0x8], $0x2000, $0x38;
	[tilespmem:$0xAC80] =	vst v63  }
0x89: {  	_ =	swait.ge [sflag:s23], $0x2000  }
0x8a: {  	[sflag:s23] =	ssyncset.done $0x0  }
0x8b: {  	s5 =	simm.s32 @!p0 $0x2C80;
	s0 =	sadd.s32 @!p0 $0x300, s4;
	[sflag:s23] =	ssyncadd.s32 $0xFFFFE000  }
0x8c: {  	[tilespmem:s5], [sflag:$0x2] =	stream.indirect.gather @!p0 [hbm4b:s3+s7], $0x40, s0, s7, $0xb8;
	[tilespmem:$0xAC80] =	vst v63  }
0x8d: {  	_ =	swait.ge [sflag:s24], $0x2000  }
0x8e: {  	[sflag:s24] =	ssyncset.done $0x0  }
0x8f: {  	[sflag:s24] =	ssyncadd.s32 $0xFFFFE000  }
0x90: {  	[hbm4b:s1+s2] =	stream.linear.scatter [tilespmem:s17], [sflag:$0x9], $0x2000, $0x38;
	[tilespmem:$0xAC80] =	vst v63  }
0x91: {  	_ =	swait.ge [sflag:s25], $0x2000  }
0x92: {  	[sflag:s25] =	ssyncset.done $0x0  }
0x93: {  	s0 =	sadd.s32 @!p0 $0x380, s4;
	s1 =	simm.s32 @!p0 $0x4C80;
	[sflag:s25] =	ssyncadd.s32 $0xFFFFE000  }
0x94: {  	[tilespmem:s1], [sflag:$0x3] =	stream.indirect.gather @!p0 [hbm4b:s3+s7], $0x40, s0, s7, $0xb8;
	[tilespmem:$0xAC80] =	vst v63  }
0x95: {  	_ =	swait.ge [sflag:s26], $0x2000  }
0x96: {  	[sflag:s26] =	ssyncset.done $0x0  }
0x97: {  	s15 =	simm.s32 $0x9;
	[sflag:s26] =	ssyncadd.s32 $0xFFFFE000  }
0x98: {  	[hbm4b:s31+s2] =	stream.linear.scatter [tilespmem:s19], [sflag:$0xA], $0x2000, $0x38;
	[tilespmem:$0xAC80] =	vst v63  }
0x99: {  	_ =	swait.ge [sflag:s15], $0x2000  }
0x9a: {  	[sflag:s15] =	ssyncset.done $0x0  }
0x9b: {  	s29 =	simm.s32 $0xA;
	[sflag:s15] =	ssyncadd.s32 $0xFFFFE000  }
0x9c: {  	_ =	swait.ge [sflag:s29], $0x2000  }
0x9d: {  	s30 =	sadd.s32 $0x1, s30;
	s31 =	rddreg [dreg:$0x3]  }
0x9e: {  	p0 =	sne.s32 s30, s31  }
.Ltmp1:
0x9f: {  	_ = 	snop;
	(pc) =	sbr.rel @p0 .LBB2_1-.Ltmp1, $3  }
0xa0: {  	_ =	sdelay $0x1  }
0xa1: {  	[sflag:s29] =	ssyncset.done $0x0  }
0xa2: {  	[sflag:s29] =	ssyncadd.s32 $0xFFFFE000  }
0xa3: {  	_ =	sfence.sel $0x180000  }
0xa4: {  	[bflag:$0x0] =	sbarrier.arrive $0xFFFF  }
0xa5: {  	_ =	strace $0x90000047  }
0xa6: {  	s0 =	stileid.u32;
	[bflag:$0x2] =	sbarrier.arrive $0xFFFF  }
0xa7: {  	p0 =	sne.s32 s0, $0x0;
	s0 =	rddreg [dreg:$0x1]  }
0xa8: {  	s0 =	sadd.s32 @!p0 $0x100000, s0  }
0xa9: {  	[sflag:s0] =	ssyncadd.tile.s32 @!p0 $0x1;
	_ =	shalt  }
.Lfunc_end2:
_tile_overlayer_lowered:
.L_overlay_start_2:
0xaa: {  	(tag) =	ssettag $0x2  }
0xab: {  	s0 =	rddreg [dreg:$0x0];
	s2 =	stileid.u32  }
0xac: {  	s1 =	rddreg [dreg:$0x1];
	p0 =	sne.s32 s2, $0x0  }
0xad: {  	s3 =	rddreg [dreg:$0x2];
	[bflag:$0x3] =	sbarrier.arrive $0xFFFF;
	s2 =	simm.s32 @!p0 $0x1C0B  }
0xae: {  	[timem:s3], [sflag:s2] =	dma.local @!p0 [hbm:s0], s1  }
0xaf: {  	s0 =	simm.s32 @!p0 $0xB  }
0xb0: {  	_ =	swait.ge @!p0 [sflag:s0], s1  }
0xb1: {  	s1 =	ssub.s32 @!p0 $0x0, s1;
	[sflag:s0] =	ssyncset.done @!p0 $0x0  }
0xb2: {  	[sflag:s0] =	ssyncadd.s32 @!p0 s1  }
0xb3: {  	[bflag:$0x3] =	sbarrier.arrive $0xFFFF  }
0xb4: {  	_ =	shalt  }

</sc_bundles>
